<compile_context>
chip_gen: v7x
topology: tpu7x:2x2x1
jax: 0.10.2.dev20260603
libtpu: 0.0.44.dev20260713+nightly
codegen_flags: <defaults>
</compile_context>

<pallas_src>
import functools

import jax
import jax.numpy as jnp
from jax import lax
from jax.experimental import pallas as pl
from jax.experimental.pallas import tpu as pltpu
from jax.experimental.pallas import tpu_sc as plsc

B = 16384
USER_DIM = 32
ITEM_DIM = 64
HIDDEN = 64
MARGIN = 1.0
LANES = 128

HW = 1 << 18

NC = 2
NS = 16
NW = NC * NS
BPW = B // NW
CHUNK = 128
NCHUNK = BPW // CHUNK

TBLK = 4096


def _bf16_bits(x):
    u = lax.bitcast_convert_type(x, jnp.uint32)
    u = u + jnp.uint32(0x7FFF) + ((u >> 16) & jnp.uint32(1))
    return u


def _project_kernel(t0_ref, t1_ref, t2_ref, t3_ref, w_ref, out_ref):
    dn = (((0,), (0,)), ((), ()))
    w = w_ref[...]
    q = [lax.dot_general(r[...], w, dn, preferred_element_type=jnp.float32)
         for r in (t0_ref, t1_ref, t2_ref, t3_ref)]
    b = [_bf16_bits(x) for x in q]
    p01 = (b[0] >> 16) | (b[1] & jnp.uint32(0xFFFF0000))
    p23 = (b[2] >> 16) | (b[3] & jnp.uint32(0xFFFF0000))
    packed = jnp.concatenate([p01, p23], axis=1)
    out_ref[...] = lax.bitcast_convert_type(packed, jnp.float32)


def _make_wide(table_t, w_part, in_dim, last_block):
    return pl.pallas_call(
        _project_kernel,
        grid=(HW // TBLK,),
        in_specs=[
            pl.BlockSpec((in_dim, TBLK),
                         lambda i, q=q: (0, jnp.minimum(
                             i + q * (HW // TBLK), last_block)))
            for q in range(4)
        ] + [pl.BlockSpec((in_dim, HIDDEN), lambda i: (0, 0))],
        out_specs=pl.BlockSpec((TBLK, LANES), lambda i: (i, 0)),
        out_shape=jax.ShapeDtypeStruct((HW, LANES), jnp.float32),
    )(table_t, table_t, table_t, table_t, w_part)


_MESH = dict(core_axis_name="c", subcore_axis_name="s")


def _sc_gather1(idx, tab):

    @functools.partial(
        pl.kernel,
        out_type=jax.ShapeDtypeStruct((B, LANES), jnp.float32),
        mesh=plsc.VectorSubcoreMesh(**_MESH),
        scratch_types=[
            pltpu.VMEM((8, CHUNK), jnp.int32),
            pltpu.VMEM((2, CHUNK, LANES), jnp.float32),
            pltpu.SemaphoreType.DMA,
        ],
    )
    def k(idx_hbm, tab_hbm, out_hbm, idx_v, buf, sem):
        wid = lax.axis_index("s") * NC + lax.axis_index("c")
        base = wid * BPW
        pltpu.sync_copy(idx_hbm.at[wid], idx_v)
        prev = None
        for j in range(NCHUNK):
            h = pltpu.async_copy(tab_hbm.at[idx_v.at[j]], buf.at[j & 1], sem)
            if prev is not None:
                prev[1].wait()
                pltpu.sync_copy(buf.at[prev[0] & 1],
                                out_hbm.at[pl.ds(base + prev[0] * CHUNK, CHUNK)])
            prev = (j, h)
        prev[1].wait()
        pltpu.sync_copy(buf.at[prev[0] & 1],
                        out_hbm.at[pl.ds(base + prev[0] * CHUNK, CHUNK)])

    return k(idx, tab)


def _sc_gather2(pidx, nidx, tab):

    @functools.partial(
        pl.kernel,
        out_type=[jax.ShapeDtypeStruct((B, LANES), jnp.float32),
                  jax.ShapeDtypeStruct((B, LANES), jnp.float32)],
        mesh=plsc.VectorSubcoreMesh(**_MESH),
        scratch_types=[
            pltpu.VMEM((8, CHUNK), jnp.int32),
            pltpu.VMEM((8, CHUNK), jnp.int32),
            pltpu.VMEM((2, CHUNK, LANES), jnp.float32),
            pltpu.VMEM((2, CHUNK, LANES), jnp.float32),
            pltpu.SemaphoreType.DMA,
            pltpu.SemaphoreType.DMA,
        ],
    )
    def k(pidx_hbm, nidx_hbm, tab_hbm, pe_hbm, ne_hbm,
          pidx_v, nidx_v, pbuf, nbuf, sp, sn):
        wid = lax.axis_index("s") * NC + lax.axis_index("c")
        base = wid * BPW
        pltpu.sync_copy(pidx_hbm.at[wid], pidx_v)
        pltpu.sync_copy(nidx_hbm.at[wid], nidx_v)

        def store(j):
            dsl = pl.ds(base + j * CHUNK, CHUNK)
            pltpu.sync_copy(pbuf.at[j & 1], pe_hbm.at[dsl])
            pltpu.sync_copy(nbuf.at[j & 1], ne_hbm.at[dsl])

        prev = None
        for j in range(NCHUNK):
            w = [pltpu.async_copy(tab_hbm.at[pidx_v.at[j]], pbuf.at[j & 1], sp),
                 pltpu.async_copy(tab_hbm.at[nidx_v.at[j]], nbuf.at[j & 1], sn)]
            if prev is not None:
                for h in prev[1]:
                    h.wait()
                store(prev[0])
            prev = (j, w)
        for h in prev[1]:
            h.wait()
        store(prev[0])

    return k(pidx, nidx, tab)


MBLK = 4096
_U32 = jnp.uint32


def _unpack(x, idx, bit_half, bit_par):
    half = jnp.where((idx & _U32(bit_half)) > 0, x[:, 64:128], x[:, 0:64])
    bits = lax.bitcast_convert_type(half, jnp.uint32)
    lo = lax.bitcast_convert_type(bits << 16, jnp.float32)
    hi = lax.bitcast_convert_type(bits & _U32(0xFFFF0000), jnp.float32)
    return jnp.where((idx & _U32(bit_par)) > 0, hi, lo)


def _mlp_loss_kernel(uw_ref, pw_ref, nw_ref, ui_ref, pi_ref, ni_ref,
                     b1_ref, w2t_ref, b2_ref, out_ref):
    ui = ui_ref[...].astype(jnp.uint32)
    pi = pi_ref[...].astype(jnp.uint32)
    ni = ni_ref[...].astype(jnp.uint32)
    u1 = _unpack(uw_ref[...], ui, 1 << 19, 1 << 18)
    pP = _unpack(pw_ref[...], pi, 1 << 19, 1 << 18)
    nP = _unpack(nw_ref[...], ni, 1 << 19, 1 << 18)

    b1 = b1_ref[...]
    hp = jnp.maximum(u1 + pP + b1, 0.0)
    hn = jnp.maximum(u1 + nP + b1, 0.0)
    w2t = w2t_ref[...]
    b2 = b2_ref[0, 0]
    op = jnp.maximum(jnp.sum(hp * w2t, axis=1, keepdims=True) + b2, 0.0)
    on = jnp.maximum(jnp.sum(hn * w2t, axis=1, keepdims=True) + b2, 0.0)
    part = jnp.sum(jnp.maximum(on - op + MARGIN, 0.0)) / B

    @pl.when(pl.program_id(0) == 0)
    def _():
        out_ref[0, 0] = 0.0
    out_ref[0, 0] += part


def kernel(user_input, pos_item_input, neg_item_input, user_table,
           item_table, W1, b1, W2, b2):
    ut_u = user_table.T
    ut_i = item_table.T
    n_users, n_items = user_table.shape[0], item_table.shape[0]
    ulast = (n_users - 1) // TBLK
    ilast = (n_items - 1) // TBLK

    uw_tab = _make_wide(ut_u, W1[:USER_DIM], USER_DIM, ulast)
    iw_tab = _make_wide(ut_i, W1[USER_DIM:], ITEM_DIM, ilast)

    idx3 = lambda a: jnp.pad((a & (HW - 1)).reshape(NW, NCHUNK, CHUNK),
                             ((0, 0), (0, 8 - NCHUNK), (0, 0)))
    ue_w = _sc_gather1(idx3(user_input), uw_tab)
    pe_w, ne_w = _sc_gather2(idx3(pos_item_input), idx3(neg_item_input),
                             iw_tab)

    b1r = b1.reshape(1, HIDDEN)
    w2t = W2.reshape(1, HIDDEN)
    b2r = b2.reshape(1, 1)

    grid = B // MBLK
    bspec_wide = pl.BlockSpec((MBLK, LANES), lambda i: (i, 0))
    bspec_idx = pl.BlockSpec((MBLK, 1), lambda i: (i, 0))
    bspec_full = lambda shape: pl.BlockSpec(shape, lambda i: (0, 0))

    loss = pl.pallas_call(
        _mlp_loss_kernel,
        grid=(grid,),
        in_specs=[
            bspec_wide, bspec_wide, bspec_wide,
            bspec_idx, bspec_idx, bspec_idx,
            bspec_full((1, HIDDEN)),
            bspec_full((1, HIDDEN)),
            bspec_full((1, 1)),
        ],
        out_specs=pl.BlockSpec(memory_space=pltpu.SMEM,
                               block_shape=(1, 1), index_map=lambda i: (0, 0)),
        out_shape=jax.ShapeDtypeStruct((1, 1), jnp.float32),
    )(ue_w, pe_w, ne_w,
      user_input.reshape(B, 1), pos_item_input.reshape(B, 1),
      neg_item_input.reshape(B, 1),
      b1r, w2t, b2r)
    return loss[0, 0]

# --- scband reference (transcript-rebuilt; emitter-appended) ---
"""Pipeline reference for scband-deep-triplet-model-79568564125740 (READ-ONLY COPY).

The authoritative reference and input builder live on the scoring server;
editing this copy changes nothing except your own understanding.
"""

import jax, jax.numpy as jnp
import numpy as np

B = 16384
N_USERS = 1000000
N_ITEMS = 1000000
USER_DIM = 32
ITEM_DIM = 64
HIDDEN = 64
MARGIN = 1.0


def setup_inputs(seed: int = 0) -> dict:
    key = jax.random.key(seed)
    ks = jax.random.split(key, 9)
    user_input = jax.random.randint(ks[0], (B,), 0, N_USERS, dtype=jnp.int64 if jax.config.jax_enable_x64 else jnp.int32).astype(jnp.int32)
    pos_item_input = jax.random.randint(ks[1], (B,), 0, N_ITEMS).astype(jnp.int32)
    neg_item_input = jax.random.randint(ks[2], (B,), 0, N_ITEMS).astype(jnp.int32)
    user_table = jax.random.normal(ks[3], (N_USERS, USER_DIM), dtype=jnp.float32) * 0.05
    item_table = jax.random.normal(ks[4], (N_ITEMS, ITEM_DIM), dtype=jnp.float32) * 0.05
    in_dim = USER_DIM + ITEM_DIM
    W1 = jax.random.normal(ks[5], (in_dim, HIDDEN), dtype=jnp.float32) * (1.0 / np.sqrt(in_dim))
    b1 = jnp.zeros((HIDDEN,), dtype=jnp.float32)
    W2 = jax.random.normal(ks[6], (HIDDEN, 1), dtype=jnp.float32) * (1.0 / np.sqrt(HIDDEN))
    b2 = jnp.zeros((1,), dtype=jnp.float32)
    return {
        "user_input": user_input,
        "pos_item_input": pos_item_input,
        "neg_item_input": neg_item_input,
        "user_table": user_table,
        "item_table": item_table,
        "W1": W1,
        "b1": b1,
        "W2": W2,
        "b2": b2,
    }


def reference(user_input, pos_item_input, neg_item_input, user_table, item_table, W1, b1, W2, b2):
    # Embedding lookups (input_length=1, then Flatten -> [B, dim])
    ue = jnp.take(user_table, user_input, axis=0)
    pe = jnp.take(item_table, pos_item_input, axis=0)
    ne = jnp.take(item_table, neg_item_input, axis=0)

    def mlp(x):
        h = jax.nn.relu(x @ W1 + b1)
        o = jax.nn.relu(h @ W2 + b2)
        return o

    pos_pair = jnp.concatenate([ue, pe], axis=1)
    neg_pair = jnp.concatenate([ue, ne], axis=1)
    pos_similarity = mlp(pos_pair)
    neg_similarity = mlp(neg_pair)
    # MarginLoss: mean(max(neg - pos + margin, 0))
    loss = jnp.mean(jnp.maximum(neg_similarity - pos_similarity + MARGIN, 0.0))
    return loss

if __name__ == "__main__":
    import jax
    _d = setup_inputs()
    print(jax.jit(kernel)(*tuple(_d.values())))

</pallas_src>

<mosaic_0001>
#map = affine_map<(d0, d1) -> (0, 0, 0)>
#map1 = affine_map<(d0, d1) -> (0, 0)>
module attributes {stable_mosaic.version = 14 : i64} {
  func.func @k(%arg0: i32, %arg1: i32, %arg2: memref<32x8x128xi32, #tpu.memory_space<hbm>>, %arg3: memref<32x8x128xi32, #tpu.memory_space<hbm>>, %arg4: memref<262144x128xf32, #tpu.memory_space<hbm>>, %arg5: memref<16384x128xf32, #tpu.memory_space<hbm>>, %arg6: memref<16384x128xf32, #tpu.memory_space<hbm>>, %arg7: memref<8x128xi32, #tpu.memory_space<vmem>>, %arg8: memref<8x128xi32, #tpu.memory_space<vmem>>, %arg9: memref<2x128x128xf32, #tpu.memory_space<vmem>>, %arg10: memref<2x128x128xf32, #tpu.memory_space<vmem>>, %arg11: memref<!tpu.dma_semaphore, #tpu.memory_space<semaphore_mem>>, %arg12: memref<!tpu.dma_semaphore, #tpu.memory_space<semaphore_mem>>) attributes {dimension_semantics = [#tpu.dimension_semantics<core_parallel>, #tpu.dimension_semantics<subcore_parallel>], iteration_bounds = array<i64: 2, 16>, scalar_prefetch = 0 : i64, scratch_operands = 6 : i64, tpu.core_type = #tpu.core_type<sc_vector_subcore>, window_params = [{transform_indices = #map}, {transform_indices = #map}, {transform_indices = #map1}, {transform_indices = #map1}, {transform_indices = #map1}]} {
    %mul3A = arith.constant 2 : i32
    %mul3A_0 = arith.muli %arg1, %mul3A : i32
    %add3A = arith.addi %mul3A_0, %arg0 : i32
    %mul3A_1 = arith.constant 512 : i32
    %mul3A_2 = arith.muli %add3A, %mul3A_1 : i32
    "tpu.region"() ({
      %run_scoped3A_208 = tpu.sem_alloc : memref<!tpu.dma_semaphore, #tpu.memory_space<semaphore_mem>>
      %dma_start3A_209 = arith.constant 0 : i32
      %dma_start3A_210 = arith.constant 0 : i32
      %dma_start3A_211 = tpu.memref_slice %arg2[%add3A, %dma_start3A_209, %dma_start3A_210] : memref<32x8x128xi32, #tpu.memory_space<hbm>> -> memref<1x8x128xi32, #tpu.memory_space<hbm>>
      %dma_start3A_212 = tpu.memref_squeeze %dma_start3A_211 : memref<1x8x128xi32, #tpu.memory_space<hbm>> -> memref<8x128xi32, #tpu.memory_space<hbm>>
      %dma_start3A_213 = arith.constant 0 : i32
      %dma_start3A_214 = arith.constant 0 : i32
      %dma_start3A_215 = tpu.memref_slice %arg2[%add3A, %dma_start3A_213, %dma_start3A_214] : memref<32x8x128xi32, #tpu.memory_space<hbm>> -> memref<1x8x128xi32, #tpu.memory_space<hbm>>
      %dma_start3A_216 = tpu.memref_squeeze %dma_start3A_215 : memref<1x8x128xi32, #tpu.memory_space<hbm>> -> memref<8x128xi32, #tpu.memory_space<hbm>>
      tpu.enqueue_dma source(%dma_start3A_216 : memref<8x128xi32, #tpu.memory_space<hbm>>) target(%arg7 : memref<8x128xi32, #tpu.memory_space<vmem>>) target_semaphore(%run_scoped3A_208 : memref<!tpu.dma_semaphore, #tpu.memory_space<semaphore_mem>>)
      %dma_wait3A_217 = arith.constant 0 : i32
      %dma_wait3A_218 = arith.constant 0 : i32
      %dma_wait3A_219 = tpu.memref_slice %arg2[%add3A, %dma_wait3A_217, %dma_wait3A_218] : memref<32x8x128xi32, #tpu.memory_space<hbm>> -> memref<1x8x128xi32, #tpu.memory_space<hbm>>
      %dma_wait3A_220 = tpu.memref_squeeze %dma_wait3A_219 : memref<1x8x128xi32, #tpu.memory_space<hbm>> -> memref<8x128xi32, #tpu.memory_space<hbm>>
      %dma_wait3A_221 = arith.constant 0 : i32
      %dma_wait3A_222 = arith.constant 0 : i32
      %dma_wait3A_223 = tpu.memref_slice %arg2[%add3A, %dma_wait3A_221, %dma_wait3A_222] : memref<32x8x128xi32, #tpu.memory_space<hbm>> -> memref<1x8x128xi32, #tpu.memory_space<hbm>>
      %dma_wait3A_224 = tpu.memref_squeeze %dma_wait3A_223 : memref<1x8x128xi32, #tpu.memory_space<hbm>> -> memref<8x128xi32, #tpu.memory_space<hbm>>
      tpu.wait_dma2 semaphore(%run_scoped3A_208 : memref<!tpu.dma_semaphore, #tpu.memory_space<semaphore_mem>>) src(%dma_wait3A_224 : memref<8x128xi32, #tpu.memory_space<hbm>>) dst(%arg7 : memref<8x128xi32, #tpu.memory_space<vmem>>)
      tpu.yield
    }) : () -> ()
    "tpu.region"() ({
      %run_scoped3A_208 = tpu.sem_alloc : memref<!tpu.dma_semaphore, #tpu.memory_space<semaphore_mem>>
      %dma_start3A_209 = arith.constant 0 : i32
      %dma_start3A_210 = arith.constant 0 : i32
      %dma_start3A_211 = tpu.memref_slice %arg3[%add3A, %dma_start3A_209, %dma_start3A_210] : memref<32x8x128xi32, #tpu.memory_space<hbm>> -> memref<1x8x128xi32, #tpu.memory_space<hbm>>
      %dma_start3A_212 = tpu.memref_squeeze %dma_start3A_211 : memref<1x8x128xi32, #tpu.memory_space<hbm>> -> memref<8x128xi32, #tpu.memory_space<hbm>>
      %dma_start3A_213 = arith.constant 0 : i32
      %dma_start3A_214 = arith.constant 0 : i32
      %dma_start3A_215 = tpu.memref_slice %arg3[%add3A, %dma_start3A_213, %dma_start3A_214] : memref<32x8x128xi32, #tpu.memory_space<hbm>> -> memref<1x8x128xi32, #tpu.memory_space<hbm>>
      %dma_start3A_216 = tpu.memref_squeeze %dma_start3A_215 : memref<1x8x128xi32, #tpu.memory_space<hbm>> -> memref<8x128xi32, #tpu.memory_space<hbm>>
      tpu.enqueue_dma source(%dma_start3A_216 : memref<8x128xi32, #tpu.memory_space<hbm>>) target(%arg8 : memref<8x128xi32, #tpu.memory_space<vmem>>) target_semaphore(%run_scoped3A_208 : memref<!tpu.dma_semaphore, #tpu.memory_space<semaphore_mem>>)
      %dma_wait3A_217 = arith.constant 0 : i32
      %dma_wait3A_218 = arith.constant 0 : i32
      %dma_wait3A_219 = tpu.memref_slice %arg3[%add3A, %dma_wait3A_217, %dma_wait3A_218] : memref<32x8x128xi32, #tpu.memory_space<hbm>> -> memref<1x8x128xi32, #tpu.memory_space<hbm>>
      %dma_wait3A_220 = tpu.memref_squeeze %dma_wait3A_219 : memref<1x8x128xi32, #tpu.memory_space<hbm>> -> memref<8x128xi32, #tpu.memory_space<hbm>>
      %dma_wait3A_221 = arith.constant 0 : i32
      %dma_wait3A_222 = arith.constant 0 : i32
      %dma_wait3A_223 = tpu.memref_slice %arg3[%add3A, %dma_wait3A_221, %dma_wait3A_222] : memref<32x8x128xi32, #tpu.memory_space<hbm>> -> memref<1x8x128xi32, #tpu.memory_space<hbm>>
      %dma_wait3A_224 = tpu.memref_squeeze %dma_wait3A_223 : memref<1x8x128xi32, #tpu.memory_space<hbm>> -> memref<8x128xi32, #tpu.memory_space<hbm>>
      tpu.wait_dma2 semaphore(%run_scoped3A_208 : memref<!tpu.dma_semaphore, #tpu.memory_space<semaphore_mem>>) src(%dma_wait3A_224 : memref<8x128xi32, #tpu.memory_space<hbm>>) dst(%arg8 : memref<8x128xi32, #tpu.memory_space<vmem>>)
      tpu.yield
    }) : () -> ()
    %dma_start3A = arith.constant 0 : i32
    %dma_start3A_3 = arith.constant 0 : i32
    %dma_start3A_4 = arith.constant 0 : i32
    %dma_start3A_5 = arith.constant 0 : i32
    %dma_start3A_6 = tpu.memref_slice %arg9[%dma_start3A_3, %dma_start3A_4, %dma_start3A_5] : memref<2x128x128xf32, #tpu.memory_space<vmem>> -> memref<1x128x128xf32, #tpu.memory_space<vmem>>
    %dma_start3A_7 = tpu.memref_squeeze %dma_start3A_6 : memref<1x128x128xf32, #tpu.memory_space<vmem>> -> memref<128x128xf32, #tpu.memory_space<vmem>>
    %dma_start3A_8 = arith.constant 0 : i32
    %dma_start3A_9 = tpu.memref_slice %arg7[%dma_start3A, %dma_start3A_8] : memref<8x128xi32, #tpu.memory_space<vmem>> -> memref<1x128xi32, #tpu.memory_space<vmem>>
    %dma_start3A_10 = tpu.memref_squeeze %dma_start3A_9 : memref<1x128xi32, #tpu.memory_space<vmem>> -> memref<128xi32, #tpu.memory_space<vmem>>
    %dma_start3A_11 = arith.constant 0 : i32
    %dma_start3A_12 = arith.constant 0 : i32
    %dma_start3A_13 = tpu.memref_slice %arg4[%dma_start3A_11, %dma_start3A_12] : memref<262144x128xf32, #tpu.memory_space<hbm>> -> memref<262144x128xf32, #tpu.memory_space<hbm>>
    tpu.enqueue_indirect_dma source(%dma_start3A_13 : memref<262144x128xf32, #tpu.memory_space<hbm>>) target(%dma_start3A_7 : memref<128x128xf32, #tpu.memory_space<vmem>>) offsets(%dma_start3A_10 : memref<128xi32, #tpu.memory_space<vmem>>) semaphore(%arg11 : memref<!tpu.dma_semaphore, #tpu.memory_space<semaphore_mem>>)
    %dma_start3A_14 = arith.constant 0 : i32
    %dma_start3A_15 = arith.constant 0 : i32
    %dma_start3A_16 = arith.constant 0 : i32
    %dma_start3A_17 = arith.constant 0 : i32
    %dma_start3A_18 = tpu.memref_slice %arg10[%dma_start3A_15, %dma_start3A_16, %dma_start3A_17] : memref<2x128x128xf32, #tpu.memory_space<vmem>> -> memref<1x128x128xf32, #tpu.memory_space<vmem>>
    %dma_start3A_19 = tpu.memref_squeeze %dma_start3A_18 : memref<1x128x128xf32, #tpu.memory_space<vmem>> -> memref<128x128xf32, #tpu.memory_space<vmem>>
    %dma_start3A_20 = arith.constant 0 : i32
    %dma_start3A_21 = tpu.memref_slice %arg8[%dma_start3A_14, %dma_start3A_20] : memref<8x128xi32, #tpu.memory_space<vmem>> -> memref<1x128xi32, #tpu.memory_space<vmem>>
    %dma_start3A_22 = tpu.memref_squeeze %dma_start3A_21 : memref<1x128xi32, #tpu.memory_space<vmem>> -> memref<128xi32, #tpu.memory_space<vmem>>
    %dma_start3A_23 = arith.constant 0 : i32
    %dma_start3A_24 = arith.constant 0 : i32
    %dma_start3A_25 = tpu.memref_slice %arg4[%dma_start3A_23, %dma_start3A_24] : memref<262144x128xf32, #tpu.memory_space<hbm>> -> memref<262144x128xf32, #tpu.memory_space<hbm>>
    tpu.enqueue_indirect_dma source(%dma_start3A_25 : memref<262144x128xf32, #tpu.memory_space<hbm>>) target(%dma_start3A_19 : memref<128x128xf32, #tpu.memory_space<vmem>>) offsets(%dma_start3A_22 : memref<128xi32, #tpu.memory_space<vmem>>) semaphore(%arg12 : memref<!tpu.dma_semaphore, #tpu.memory_space<semaphore_mem>>)
    %dma_start3A_26 = arith.constant 1 : i32
    %dma_start3A_27 = arith.constant 1 : i32
    %dma_start3A_28 = arith.constant 0 : i32
    %dma_start3A_29 = arith.constant 0 : i32
    %dma_start3A_30 = tpu.memref_slice %arg9[%dma_start3A_27, %dma_start3A_28, %dma_start3A_29] : memref<2x128x128xf32, #tpu.memory_space<vmem>> -> memref<1x128x128xf32, #tpu.memory_space<vmem>>
    %dma_start3A_31 = tpu.memref_squeeze %dma_start3A_30 : memref<1x128x128xf32, #tpu.memory_space<vmem>> -> memref<128x128xf32, #tpu.memory_space<vmem>>
    %dma_start3A_32 = arith.constant 0 : i32
    %dma_start3A_33 = tpu.memref_slice %arg7[%dma_start3A_26, %dma_start3A_32] : memref<8x128xi32, #tpu.memory_space<vmem>> -> memref<1x128xi32, #tpu.memory_space<vmem>>
    %dma_start3A_34 = tpu.memref_squeeze %dma_start3A_33 : memref<1x128xi32, #tpu.memory_space<vmem>> -> memref<128xi32, #tpu.memory_space<vmem>>
    %dma_start3A_35 = arith.constant 0 : i32
    %dma_start3A_36 = arith.constant 0 : i32
    %dma_start3A_37 = tpu.memref_slice %arg4[%dma_start3A_35, %dma_start3A_36] : memref<262144x128xf32, #tpu.memory_space<hbm>> -> memref<262144x128xf32, #tpu.memory_space<hbm>>
    tpu.enqueue_indirect_dma source(%dma_start3A_37 : memref<262144x128xf32, #tpu.memory_space<hbm>>) target(%dma_start3A_31 : memref<128x128xf32, #tpu.memory_space<vmem>>) offsets(%dma_start3A_34 : memref<128xi32, #tpu.memory_space<vmem>>) semaphore(%arg11 : memref<!tpu.dma_semaphore, #tpu.memory_space<semaphore_mem>>)
    %dma_start3A_38 = arith.constant 1 : i32
    %dma_start3A_39 = arith.constant 1 : i32
    %dma_start3A_40 = arith.constant 0 : i32
    %dma_start3A_41 = arith.constant 0 : i32
    %dma_start3A_42 = tpu.memref_slice %arg10[%dma_start3A_39, %dma_start3A_40, %dma_start3A_41] : memref<2x128x128xf32, #tpu.memory_space<vmem>> -> memref<1x128x128xf32, #tpu.memory_space<vmem>>
    %dma_start3A_43 = tpu.memref_squeeze %dma_start3A_42 : memref<1x128x128xf32, #tpu.memory_space<vmem>> -> memref<128x128xf32, #tpu.memory_space<vmem>>
    %dma_start3A_44 = arith.constant 0 : i32
    %dma_start3A_45 = tpu.memref_slice %arg8[%dma_start3A_38, %dma_start3A_44] : memref<8x128xi32, #tpu.memory_space<vmem>> -> memref<1x128xi32, #tpu.memory_space<vmem>>
    %dma_start3A_46 = tpu.memref_squeeze %dma_start3A_45 : memref<1x128xi32, #tpu.memory_space<vmem>> -> memref<128xi32, #tpu.memory_space<vmem>>
    %dma_start3A_47 = arith.constant 0 : i32
    %dma_start3A_48 = arith.constant 0 : i32
    %dma_start3A_49 = tpu.memref_slice %arg4[%dma_start3A_47, %dma_start3A_48] : memref<262144x128xf32, #tpu.memory_space<hbm>> -> memref<262144x128xf32, #tpu.memory_space<hbm>>
    tpu.enqueue_indirect_dma source(%dma_start3A_49 : memref<262144x128xf32, #tpu.memory_space<hbm>>) target(%dma_start3A_43 : memref<128x128xf32, #tpu.memory_space<vmem>>) offsets(%dma_start3A_46 : memref<128xi32, #tpu.memory_space<vmem>>) semaphore(%arg12 : memref<!tpu.dma_semaphore, #tpu.memory_space<semaphore_mem>>)
    %dma_wait3A = arith.constant 0 : i32
    %dma_wait3A_50 = arith.constant 0 : i32
    %dma_wait3A_51 = arith.constant 0 : i32
    %dma_wait3A_52 = arith.constant 0 : i32
    %dma_wait3A_53 = tpu.memref_slice %arg9[%dma_wait3A_50, %dma_wait3A_51, %dma_wait3A_52] : memref<2x128x128xf32, #tpu.memory_space<vmem>> -> memref<1x128x128xf32, #tpu.memory_space<vmem>>
    %dma_wait3A_54 = tpu.memref_squeeze %dma_wait3A_53 : memref<1x128x128xf32, #tpu.memory_space<vmem>> -> memref<128x128xf32, #tpu.memory_space<vmem>>
    %dma_wait3A_55 = arith.constant 0 : i32
    %dma_wait3A_56 = tpu.memref_slice %arg7[%dma_wait3A, %dma_wait3A_55] : memref<8x128xi32, #tpu.memory_space<vmem>> -> memref<1x128xi32, #tpu.memory_space<vmem>>
    %dma_wait3A_57 = tpu.memref_squeeze %dma_wait3A_56 : memref<1x128xi32, #tpu.memory_space<vmem>> -> memref<128xi32, #tpu.memory_space<vmem>>
    %dma_wait3A_58 = arith.constant 0 : i32
    %dma_wait3A_59 = arith.constant 0 : i32
    %dma_wait3A_60 = tpu.memref_slice %arg4[%dma_wait3A_58, %dma_wait3A_59] : memref<262144x128xf32, #tpu.memory_space<hbm>> -> memref<262144x128xf32, #tpu.memory_space<hbm>>
    tpu.wait_indirect_dma semaphore(%arg11 : memref<!tpu.dma_semaphore, #tpu.memory_space<semaphore_mem>>) src(%dma_wait3A_60 : memref<262144x128xf32, #tpu.memory_space<hbm>>) dst(%dma_wait3A_54 : memref<128x128xf32, #tpu.memory_space<vmem>>)
    %dma_wait3A_61 = arith.constant 0 : i32
    %dma_wait3A_62 = arith.constant 0 : i32
    %dma_wait3A_63 = arith.constant 0 : i32
    %dma_wait3A_64 = arith.constant 0 : i32
    %dma_wait3A_65 = tpu.memref_slice %arg10[%dma_wait3A_62, %dma_wait3A_63, %dma_wait3A_64] : memref<2x128x128xf32, #tpu.memory_space<vmem>> -> memref<1x128x128xf32, #tpu.memory_space<vmem>>
    %dma_wait3A_66 = tpu.memref_squeeze %dma_wait3A_65 : memref<1x128x128xf32, #tpu.memory_space<vmem>> -> memref<128x128xf32, #tpu.memory_space<vmem>>
    %dma_wait3A_67 = arith.constant 0 : i32
    %dma_wait3A_68 = tpu.memref_slice %arg8[%dma_wait3A_61, %dma_wait3A_67] : memref<8x128xi32, #tpu.memory_space<vmem>> -> memref<1x128xi32, #tpu.memory_space<vmem>>
    %dma_wait3A_69 = tpu.memref_squeeze %dma_wait3A_68 : memref<1x128xi32, #tpu.memory_space<vmem>> -> memref<128xi32, #tpu.memory_space<vmem>>
    %dma_wait3A_70 = arith.constant 0 : i32
    %dma_wait3A_71 = arith.constant 0 : i32
    %dma_wait3A_72 = tpu.memref_slice %arg4[%dma_wait3A_70, %dma_wait3A_71] : memref<262144x128xf32, #tpu.memory_space<hbm>> -> memref<262144x128xf32, #tpu.memory_space<hbm>>
    tpu.wait_indirect_dma semaphore(%arg12 : memref<!tpu.dma_semaphore, #tpu.memory_space<semaphore_mem>>) src(%dma_wait3A_72 : memref<262144x128xf32, #tpu.memory_space<hbm>>) dst(%dma_wait3A_66 : memref<128x128xf32, #tpu.memory_space<vmem>>)
    %add3A_73 = arith.constant 0 : i32
    %add3A_74 = arith.addi %mul3A_2, %add3A_73 : i32
    %run_scoped3A = arith.constant 0 : i32
    "tpu.region"() ({
      %run_scoped3A_208 = tpu.sem_alloc : memref<!tpu.dma_semaphore, #tpu.memory_space<semaphore_mem>>
      %dma_start3A_209 = arith.constant 0 : i32
      %dma_start3A_210 = arith.constant 0 : i32
      %dma_start3A_211 = tpu.memref_slice %arg9[%run_scoped3A, %dma_start3A_209, %dma_start3A_210] : memref<2x128x128xf32, #tpu.memory_space<vmem>> -> memref<1x128x128xf32, #tpu.memory_space<vmem>>
      %dma_start3A_212 = tpu.memref_squeeze %dma_start3A_211 : memref<1x128x128xf32, #tpu.memory_space<vmem>> -> memref<128x128xf32, #tpu.memory_space<vmem>>
      %dma_start3A_213 = arith.constant 0 : i32
      %dma_start3A_214 = tpu.memref_slice %arg5[%add3A_74, %dma_start3A_213] : memref<16384x128xf32, #tpu.memory_space<hbm>> -> memref<128x128xf32, #tpu.memory_space<hbm>>
      %dma_start3A_215 = arith.constant 0 : i32
      %dma_start3A_216 = tpu.memref_slice %arg5[%add3A_74, %dma_start3A_215] : memref<16384x128xf32, #tpu.memory_space<hbm>> -> memref<128x128xf32, #tpu.memory_space<hbm>>
      %dma_start3A_217 = arith.constant 0 : i32
      %dma_start3A_218 = arith.constant 0 : i32
      %dma_start3A_219 = tpu.memref_slice %arg9[%run_scoped3A, %dma_start3A_217, %dma_start3A_218] : memref<2x128x128xf32, #tpu.memory_space<vmem>> -> memref<1x128x128xf32, #tpu.memory_space<vmem>>
      %dma_start3A_220 = tpu.memref_squeeze %dma_start3A_219 : memref<1x128x128xf32, #tpu.memory_space<vmem>> -> memref<128x128xf32, #tpu.memory_space<vmem>>
      tpu.enqueue_dma source(%dma_start3A_220 : memref<128x128xf32, #tpu.memory_space<vmem>>) target(%dma_start3A_216 : memref<128x128xf32, #tpu.memory_space<hbm>>) target_semaphore(%run_scoped3A_208 : memref<!tpu.dma_semaphore, #tpu.memory_space<semaphore_mem>>)
      %dma_wait3A_221 = arith.constant 0 : i32
      %dma_wait3A_222 = arith.constant 0 : i32
      %dma_wait3A_223 = tpu.memref_slice %arg9[%run_scoped3A, %dma_wait3A_221, %dma_wait3A_222] : memref<2x128x128xf32, #tpu.memory_space<vmem>> -> memref<1x128x128xf32, #tpu.memory_space<vmem>>
      %dma_wait3A_224 = tpu.memref_squeeze %dma_wait3A_223 : memref<1x128x128xf32, #tpu.memory_space<vmem>> -> memref<128x128xf32, #tpu.memory_space<vmem>>
      %dma_wait3A_225 = arith.constant 0 : i32
      %dma_wait3A_226 = tpu.memref_slice %arg5[%add3A_74, %dma_wait3A_225] : memref<16384x128xf32, #tpu.memory_space<hbm>> -> memref<128x128xf32, #tpu.memory_space<hbm>>
      %dma_wait3A_227 = arith.constant 0 : i32
      %dma_wait3A_228 = tpu.memref_slice %arg5[%add3A_74, %dma_wait3A_227] : memref<16384x128xf32, #tpu.memory_space<hbm>> -> memref<128x128xf32, #tpu.memory_space<hbm>>
      %dma_wait3A_229 = arith.constant 0 : i32
      %dma_wait3A_230 = arith.constant 0 : i32
      %dma_wait3A_231 = tpu.memref_slice %arg9[%run_scoped3A, %dma_wait3A_229, %dma_wait3A_230] : memref<2x128x128xf32, #tpu.memory_space<vmem>> -> memref<1x128x128xf32, #tpu.memory_space<vmem>>
      %dma_wait3A_232 = tpu.memref_squeeze %dma_wait3A_231 : memref<1x128x128xf32, #tpu.memory_space<vmem>> -> memref<128x128xf32, #tpu.memory_space<vmem>>
      tpu.wait_dma2 semaphore(%run_scoped3A_208 : memref<!tpu.dma_semaphore, #tpu.memory_space<semaphore_mem>>) src(%dma_wait3A_232 : memref<128x128xf32, #tpu.memory_space<vmem>>) dst(%dma_wait3A_228 : memref<128x128xf32, #tpu.memory_space<hbm>>)
      tpu.yield
    }) : () -> ()
    %run_scoped3A_75 = arith.constant 0 : i32
    "tpu.region"() ({
      %run_scoped3A_208 = tpu.sem_alloc : memref<!tpu.dma_semaphore, #tpu.memory_space<semaphore_mem>>
      %dma_start3A_209 = arith.constant 0 : i32
      %dma_start3A_210 = arith.constant 0 : i32
      %dma_start3A_211 = tpu.memref_slice %arg10[%run_scoped3A_75, %dma_start3A_209, %dma_start3A_210] : memref<2x128x128xf32, #tpu.memory_space<vmem>> -> memref<1x128x128xf32, #tpu.memory_space<vmem>>
      %dma_start3A_212 = tpu.memref_squeeze %dma_start3A_211 : memref<1x128x128xf32, #tpu.memory_space<vmem>> -> memref<128x128xf32, #tpu.memory_space<vmem>>
      %dma_start3A_213 = arith.constant 0 : i32
      %dma_start3A_214 = tpu.memref_slice %arg6[%add3A_74, %dma_start3A_213] : memref<16384x128xf32, #tpu.memory_space<hbm>> -> memref<128x128xf32, #tpu.memory_space<hbm>>
      %dma_start3A_215 = arith.constant 0 : i32
      %dma_start3A_216 = tpu.memref_slice %arg6[%add3A_74, %dma_start3A_215] : memref<16384x128xf32, #tpu.memory_space<hbm>> -> memref<128x128xf32, #tpu.memory_space<hbm>>
      %dma_start3A_217 = arith.constant 0 : i32
      %dma_start3A_218 = arith.constant 0 : i32
      %dma_start3A_219 = tpu.memref_slice %arg10[%run_scoped3A_75, %dma_start3A_217, %dma_start3A_218] : memref<2x128x128xf32, #tpu.memory_space<vmem>> -> memref<1x128x128xf32, #tpu.memory_space<vmem>>
      %dma_start3A_220 = tpu.memref_squeeze %dma_start3A_219 : memref<1x128x128xf32, #tpu.memory_space<vmem>> -> memref<128x128xf32, #tpu.memory_space<vmem>>
      tpu.enqueue_dma source(%dma_start3A_220 : memref<128x128xf32, #tpu.memory_space<vmem>>) target(%dma_start3A_216 : memref<128x128xf32, #tpu.memory_space<hbm>>) target_semaphore(%run_scoped3A_208 : memref<!tpu.dma_semaphore, #tpu.memory_space<semaphore_mem>>)
      %dma_wait3A_221 = arith.constant 0 : i32
      %dma_wait3A_222 = arith.constant 0 : i32
      %dma_wait3A_223 = tpu.memref_slice %arg10[%run_scoped3A_75, %dma_wait3A_221, %dma_wait3A_222] : memref<2x128x128xf32, #tpu.memory_space<vmem>> -> memref<1x128x128xf32, #tpu.memory_space<vmem>>
      %dma_wait3A_224 = tpu.memref_squeeze %dma_wait3A_223 : memref<1x128x128xf32, #tpu.memory_space<vmem>> -> memref<128x128xf32, #tpu.memory_space<vmem>>
      %dma_wait3A_225 = arith.constant 0 : i32
      %dma_wait3A_226 = tpu.memref_slice %arg6[%add3A_74, %dma_wait3A_225] : memref<16384x128xf32, #tpu.memory_space<hbm>> -> memref<128x128xf32, #tpu.memory_space<hbm>>
      %dma_wait3A_227 = arith.constant 0 : i32
      %dma_wait3A_228 = tpu.memref_slice %arg6[%add3A_74, %dma_wait3A_227] : memref<16384x128xf32, #tpu.memory_space<hbm>> -> memref<128x128xf32, #tpu.memory_space<hbm>>
      %dma_wait3A_229 = arith.constant 0 : i32
      %dma_wait3A_230 = arith.constant 0 : i32
      %dma_wait3A_231 = tpu.memref_slice %arg10[%run_scoped3A_75, %dma_wait3A_229, %dma_wait3A_230] : memref<2x128x128xf32, #tpu.memory_space<vmem>> -> memref<1x128x128xf32, #tpu.memory_space<vmem>>
      %dma_wait3A_232 = tpu.memref_squeeze %dma_wait3A_231 : memref<1x128x128xf32, #tpu.memory_space<vmem>> -> memref<128x128xf32, #tpu.memory_space<vmem>>
      tpu.wait_dma2 semaphore(%run_scoped3A_208 : memref<!tpu.dma_semaphore, #tpu.memory_space<semaphore_mem>>) src(%dma_wait3A_232 : memref<128x128xf32, #tpu.memory_space<vmem>>) dst(%dma_wait3A_228 : memref<128x128xf32, #tpu.memory_space<hbm>>)
      tpu.yield
    }) : () -> ()
    %dma_start3A_76 = arith.constant 2 : i32
    %dma_start3A_77 = arith.constant 0 : i32
    %dma_start3A_78 = arith.constant 0 : i32
    %dma_start3A_79 = arith.constant 0 : i32
    %dma_start3A_80 = tpu.memref_slice %arg9[%dma_start3A_77, %dma_start3A_78, %dma_start3A_79] : memref<2x128x128xf32, #tpu.memory_space<vmem>> -> memref<1x128x128xf32, #tpu.memory_space<vmem>>
    %dma_start3A_81 = tpu.memref_squeeze %dma_start3A_80 : memref<1x128x128xf32, #tpu.memory_space<vmem>> -> memref<128x128xf32, #tpu.memory_space<vmem>>
    %dma_start3A_82 = arith.constant 0 : i32
    %dma_start3A_83 = tpu.memref_slice %arg7[%dma_start3A_76, %dma_start3A_82] : memref<8x128xi32, #tpu.memory_space<vmem>> -> memref<1x128xi32, #tpu.memory_space<vmem>>
    %dma_start3A_84 = tpu.memref_squeeze %dma_start3A_83 : memref<1x128xi32, #tpu.memory_space<vmem>> -> memref<128xi32, #tpu.memory_space<vmem>>
    %dma_start3A_85 = arith.constant 0 : i32
    %dma_start3A_86 = arith.constant 0 : i32
    %dma_start3A_87 = tpu.memref_slice %arg4[%dma_start3A_85, %dma_start3A_86] : memref<262144x128xf32, #tpu.memory_space<hbm>> -> memref<262144x128xf32, #tpu.memory_space<hbm>>
    tpu.enqueue_indirect_dma source(%dma_start3A_87 : memref<262144x128xf32, #tpu.memory_space<hbm>>) target(%dma_start3A_81 : memref<128x128xf32, #tpu.memory_space<vmem>>) offsets(%dma_start3A_84 : memref<128xi32, #tpu.memory_space<vmem>>) semaphore(%arg11 : memref<!tpu.dma_semaphore, #tpu.memory_space<semaphore_mem>>)
    %dma_start3A_88 = arith.constant 2 : i32
    %dma_start3A_89 = arith.constant 0 : i32
    %dma_start3A_90 = arith.constant 0 : i32
    %dma_start3A_91 = arith.constant 0 : i32
    %dma_start3A_92 = tpu.memref_slice %arg10[%dma_start3A_89, %dma_start3A_90, %dma_start3A_91] : memref<2x128x128xf32, #tpu.memory_space<vmem>> -> memref<1x128x128xf32, #tpu.memory_space<vmem>>
    %dma_start3A_93 = tpu.memref_squeeze %dma_start3A_92 : memref<1x128x128xf32, #tpu.memory_space<vmem>> -> memref<128x128xf32, #tpu.memory_space<vmem>>
    %dma_start3A_94 = arith.constant 0 : i32
    %dma_start3A_95 = tpu.memref_slice %arg8[%dma_start3A_88, %dma_start3A_94] : memref<8x128xi32, #tpu.memory_space<vmem>> -> memref<1x128xi32, #tpu.memory_space<vmem>>
    %dma_start3A_96 = tpu.memref_squeeze %dma_start3A_95 : memref<1x128xi32, #tpu.memory_space<vmem>> -> memref<128xi32, #tpu.memory_space<vmem>>
    %dma_start3A_97 = arith.constant 0 : i32
    %dma_start3A_98 = arith.constant 0 : i32
    %dma_start3A_99 = tpu.memref_slice %arg4[%dma_start3A_97, %dma_start3A_98] : memref<262144x128xf32, #tpu.memory_space<hbm>> -> memref<262144x128xf32, #tpu.memory_space<hbm>>
    tpu.enqueue_indirect_dma source(%dma_start3A_99 : memref<262144x128xf32, #tpu.memory_space<hbm>>) target(%dma_start3A_93 : memref<128x128xf32, #tpu.memory_space<vmem>>) offsets(%dma_start3A_96 : memref<128xi32, #tpu.memory_space<vmem>>) semaphore(%arg12 : memref<!tpu.dma_semaphore, #tpu.memory_space<semaphore_mem>>)
    %dma_wait3A_100 = arith.constant 1 : i32
    %dma_wait3A_101 = arith.constant 1 : i32
    %dma_wait3A_102 = arith.constant 0 : i32
    %dma_wait3A_103 = arith.constant 0 : i32
    %dma_wait3A_104 = tpu.memref_slice %arg9[%dma_wait3A_101, %dma_wait3A_102, %dma_wait3A_103] : memref<2x128x128xf32, #tpu.memory_space<vmem>> -> memref<1x128x128xf32, #tpu.memory_space<vmem>>
    %dma_wait3A_105 = tpu.memref_squeeze %dma_wait3A_104 : memref<1x128x128xf32, #tpu.memory_space<vmem>> -> memref<128x128xf32, #tpu.memory_space<vmem>>
    %dma_wait3A_106 = arith.constant 0 : i32
    %dma_wait3A_107 = tpu.memref_slice %arg7[%dma_wait3A_100, %dma_wait3A_106] : memref<8x128xi32, #tpu.memory_space<vmem>> -> memref<1x128xi32, #tpu.memory_space<vmem>>
    %dma_wait3A_108 = tpu.memref_squeeze %dma_wait3A_107 : memref<1x128xi32, #tpu.memory_space<vmem>> -> memref<128xi32, #tpu.memory_space<vmem>>
    %dma_wait3A_109 = arith.constant 0 : i32
    %dma_wait3A_110 = arith.constant 0 : i32
    %dma_wait3A_111 = tpu.memref_slice %arg4[%dma_wait3A_109, %dma_wait3A_110] : memref<262144x128xf32, #tpu.memory_space<hbm>> -> memref<262144x128xf32, #tpu.memory_space<hbm>>
    tpu.wait_indirect_dma semaphore(%arg11 : memref<!tpu.dma_semaphore, #tpu.memory_space<semaphore_mem>>) src(%dma_wait3A_111 : memref<262144x128xf32, #tpu.memory_space<hbm>>) dst(%dma_wait3A_105 : memref<128x128xf32, #tpu.memory_space<vmem>>)
    %dma_wait3A_112 = arith.constant 1 : i32
    %dma_wait3A_113 = arith.constant 1 : i32
    %dma_wait3A_114 = arith.constant 0 : i32
    %dma_wait3A_115 = arith.constant 0 : i32
    %dma_wait3A_116 = tpu.memref_slice %arg10[%dma_wait3A_113, %dma_wait3A_114, %dma_wait3A_115] : memref<2x128x128xf32, #tpu.memory_space<vmem>> -> memref<1x128x128xf32, #tpu.memory_space<vmem>>
    %dma_wait3A_117 = tpu.memref_squeeze %dma_wait3A_116 : memref<1x128x128xf32, #tpu.memory_space<vmem>> -> memref<128x128xf32, #tpu.memory_space<vmem>>
    %dma_wait3A_118 = arith.constant 0 : i32
    %dma_wait3A_119 = tpu.memref_slice %arg8[%dma_wait3A_112, %dma_wait3A_118] : memref<8x128xi32, #tpu.memory_space<vmem>> -> memref<1x128xi32, #tpu.memory_space<vmem>>
    %dma_wait3A_120 = tpu.memref_squeeze %dma_wait3A_119 : memref<1x128xi32, #tpu.memory_space<vmem>> -> memref<128xi32, #tpu.memory_space<vmem>>
    %dma_wait3A_121 = arith.constant 0 : i32
    %dma_wait3A_122 = arith.constant 0 : i32
    %dma_wait3A_123 = tpu.memref_slice %arg4[%dma_wait3A_121, %dma_wait3A_122] : memref<262144x128xf32, #tpu.memory_space<hbm>> -> memref<262144x128xf32, #tpu.memory_space<hbm>>
    tpu.wait_indirect_dma semaphore(%arg12 : memref<!tpu.dma_semaphore, #tpu.memory_space<semaphore_mem>>) src(%dma_wait3A_123 : memref<262144x128xf32, #tpu.memory_space<hbm>>) dst(%dma_wait3A_117 : memref<128x128xf32, #tpu.memory_space<vmem>>)
    %add3A_124 = arith.constant 128 : i32
    %add3A_125 = arith.addi %mul3A_2, %add3A_124 : i32
    %run_scoped3A_126 = arith.constant 1 : i32
    "tpu.region"() ({
      %run_scoped3A_208 = tpu.sem_alloc : memref<!tpu.dma_semaphore, #tpu.memory_space<semaphore_mem>>
      %dma_start3A_209 = arith.constant 0 : i32
      %dma_start3A_210 = arith.constant 0 : i32
      %dma_start3A_211 = tpu.memref_slice %arg9[%run_scoped3A_126, %dma_start3A_209, %dma_start3A_210] : memref<2x128x128xf32, #tpu.memory_space<vmem>> -> memref<1x128x128xf32, #tpu.memory_space<vmem>>
      %dma_start3A_212 = tpu.memref_squeeze %dma_start3A_211 : memref<1x128x128xf32, #tpu.memory_space<vmem>> -> memref<128x128xf32, #tpu.memory_space<vmem>>
      %dma_start3A_213 = arith.constant 0 : i32
      %dma_start3A_214 = tpu.memref_slice %arg5[%add3A_125, %dma_start3A_213] : memref<16384x128xf32, #tpu.memory_space<hbm>> -> memref<128x128xf32, #tpu.memory_space<hbm>>
      %dma_start3A_215 = arith.constant 0 : i32
      %dma_start3A_216 = tpu.memref_slice %arg5[%add3A_125, %dma_start3A_215] : memref<16384x128xf32, #tpu.memory_space<hbm>> -> memref<128x128xf32, #tpu.memory_space<hbm>>
      %dma_start3A_217 = arith.constant 0 : i32
      %dma_start3A_218 = arith.constant 0 : i32
      %dma_start3A_219 = tpu.memref_slice %arg9[%run_scoped3A_126, %dma_start3A_217, %dma_start3A_218] : memref<2x128x128xf32, #tpu.memory_space<vmem>> -> memref<1x128x128xf32, #tpu.memory_space<vmem>>
      %dma_start3A_220 = tpu.memref_squeeze %dma_start3A_219 : memref<1x128x128xf32, #tpu.memory_space<vmem>> -> memref<128x128xf32, #tpu.memory_space<vmem>>
      tpu.enqueue_dma source(%dma_start3A_220 : memref<128x128xf32, #tpu.memory_space<vmem>>) target(%dma_start3A_216 : memref<128x128xf32, #tpu.memory_space<hbm>>) target_semaphore(%run_scoped3A_208 : memref<!tpu.dma_semaphore, #tpu.memory_space<semaphore_mem>>)
      %dma_wait3A_221 = arith.constant 0 : i32
      %dma_wait3A_222 = arith.constant 0 : i32
      %dma_wait3A_223 = tpu.memref_slice %arg9[%run_scoped3A_126, %dma_wait3A_221, %dma_wait3A_222] : memref<2x128x128xf32, #tpu.memory_space<vmem>> -> memref<1x128x128xf32, #tpu.memory_space<vmem>>
      %dma_wait3A_224 = tpu.memref_squeeze %dma_wait3A_223 : memref<1x128x128xf32, #tpu.memory_space<vmem>> -> memref<128x128xf32, #tpu.memory_space<vmem>>
      %dma_wait3A_225 = arith.constant 0 : i32
      %dma_wait3A_226 = tpu.memref_slice %arg5[%add3A_125, %dma_wait3A_225] : memref<16384x128xf32, #tpu.memory_space<hbm>> -> memref<128x128xf32, #tpu.memory_space<hbm>>
      %dma_wait3A_227 = arith.constant 0 : i32
      %dma_wait3A_228 = tpu.memref_slice %arg5[%add3A_125, %dma_wait3A_227] : memref<16384x128xf32, #tpu.memory_space<hbm>> -> memref<128x128xf32, #tpu.memory_space<hbm>>
      %dma_wait3A_229 = arith.constant 0 : i32
      %dma_wait3A_230 = arith.constant 0 : i32
      %dma_wait3A_231 = tpu.memref_slice %arg9[%run_scoped3A_126, %dma_wait3A_229, %dma_wait3A_230] : memref<2x128x128xf32, #tpu.memory_space<vmem>> -> memref<1x128x128xf32, #tpu.memory_space<vmem>>
      %dma_wait3A_232 = tpu.memref_squeeze %dma_wait3A_231 : memref<1x128x128xf32, #tpu.memory_space<vmem>> -> memref<128x128xf32, #tpu.memory_space<vmem>>
      tpu.wait_dma2 semaphore(%run_scoped3A_208 : memref<!tpu.dma_semaphore, #tpu.memory_space<semaphore_mem>>) src(%dma_wait3A_232 : memref<128x128xf32, #tpu.memory_space<vmem>>) dst(%dma_wait3A_228 : memref<128x128xf32, #tpu.memory_space<hbm>>)
      tpu.yield
    }) : () -> ()
    %run_scoped3A_127 = arith.constant 1 : i32
    "tpu.region"() ({
      %run_scoped3A_208 = tpu.sem_alloc : memref<!tpu.dma_semaphore, #tpu.memory_space<semaphore_mem>>
      %dma_start3A_209 = arith.constant 0 : i32
      %dma_start3A_210 = arith.constant 0 : i32
      %dma_start3A_211 = tpu.memref_slice %arg10[%run_scoped3A_127, %dma_start3A_209, %dma_start3A_210] : memref<2x128x128xf32, #tpu.memory_space<vmem>> -> memref<1x128x128xf32, #tpu.memory_space<vmem>>
      %dma_start3A_212 = tpu.memref_squeeze %dma_start3A_211 : memref<1x128x128xf32, #tpu.memory_space<vmem>> -> memref<128x128xf32, #tpu.memory_space<vmem>>
      %dma_start3A_213 = arith.constant 0 : i32
      %dma_start3A_214 = tpu.memref_slice %arg6[%add3A_125, %dma_start3A_213] : memref<16384x128xf32, #tpu.memory_space<hbm>> -> memref<128x128xf32, #tpu.memory_space<hbm>>
      %dma_start3A_215 = arith.constant 0 : i32
      %dma_start3A_216 = tpu.memref_slice %arg6[%add3A_125, %dma_start3A_215] : memref<16384x128xf32, #tpu.memory_space<hbm>> -> memref<128x128xf32, #tpu.memory_space<hbm>>
      %dma_start3A_217 = arith.constant 0 : i32
      %dma_start3A_218 = arith.constant 0 : i32
      %dma_start3A_219 = tpu.memref_slice %arg10[%run_scoped3A_127, %dma_start3A_217, %dma_start3A_218] : memref<2x128x128xf32, #tpu.memory_space<vmem>> -> memref<1x128x128xf32, #tpu.memory_space<vmem>>
      %dma_start3A_220 = tpu.memref_squeeze %dma_start3A_219 : memref<1x128x128xf32, #tpu.memory_space<vmem>> -> memref<128x128xf32, #tpu.memory_space<vmem>>
      tpu.enqueue_dma source(%dma_start3A_220 : memref<128x128xf32, #tpu.memory_space<vmem>>) target(%dma_start3A_216 : memref<128x128xf32, #tpu.memory_space<hbm>>) target_semaphore(%run_scoped3A_208 : memref<!tpu.dma_semaphore, #tpu.memory_space<semaphore_mem>>)
      %dma_wait3A_221 = arith.constant 0 : i32
      %dma_wait3A_222 = arith.constant 0 : i32
      %dma_wait3A_223 = tpu.memref_slice %arg10[%run_scoped3A_127, %dma_wait3A_221, %dma_wait3A_222] : memref<2x128x128xf32, #tpu.memory_space<vmem>> -> memref<1x128x128xf32, #tpu.memory_space<vmem>>
      %dma_wait3A_224 = tpu.memref_squeeze %dma_wait3A_223 : memref<1x128x128xf32, #tpu.memory_space<vmem>> -> memref<128x128xf32, #tpu.memory_space<vmem>>
      %dma_wait3A_225 = arith.constant 0 : i32
      %dma_wait3A_226 = tpu.memref_slice %arg6[%add3A_125, %dma_wait3A_225] : memref<16384x128xf32, #tpu.memory_space<hbm>> -> memref<128x128xf32, #tpu.memory_space<hbm>>
      %dma_wait3A_227 = arith.constant 0 : i32
      %dma_wait3A_228 = tpu.memref_slice %arg6[%add3A_125, %dma_wait3A_227] : memref<16384x128xf32, #tpu.memory_space<hbm>> -> memref<128x128xf32, #tpu.memory_space<hbm>>
      %dma_wait3A_229 = arith.constant 0 : i32
      %dma_wait3A_230 = arith.constant 0 : i32
      %dma_wait3A_231 = tpu.memref_slice %arg10[%run_scoped3A_127, %dma_wait3A_229, %dma_wait3A_230] : memref<2x128x128xf32, #tpu.memory_space<vmem>> -> memref<1x128x128xf32, #tpu.memory_space<vmem>>
      %dma_wait3A_232 = tpu.memref_squeeze %dma_wait3A_231 : memref<1x128x128xf32, #tpu.memory_space<vmem>> -> memref<128x128xf32, #tpu.memory_space<vmem>>
      tpu.wait_dma2 semaphore(%run_scoped3A_208 : memref<!tpu.dma_semaphore, #tpu.memory_space<semaphore_mem>>) src(%dma_wait3A_232 : memref<128x128xf32, #tpu.memory_space<vmem>>) dst(%dma_wait3A_228 : memref<128x128xf32, #tpu.memory_space<hbm>>)
      tpu.yield
    }) : () -> ()
    %dma_start3A_128 = arith.constant 3 : i32
    %dma_start3A_129 = arith.constant 1 : i32
    %dma_start3A_130 = arith.constant 0 : i32
    %dma_start3A_131 = arith.constant 0 : i32
    %dma_start3A_132 = tpu.memref_slice %arg9[%dma_start3A_129, %dma_start3A_130, %dma_start3A_131] : memref<2x128x128xf32, #tpu.memory_space<vmem>> -> memref<1x128x128xf32, #tpu.memory_space<vmem>>
    %dma_start3A_133 = tpu.memref_squeeze %dma_start3A_132 : memref<1x128x128xf32, #tpu.memory_space<vmem>> -> memref<128x128xf32, #tpu.memory_space<vmem>>
    %dma_start3A_134 = arith.constant 0 : i32
    %dma_start3A_135 = tpu.memref_slice %arg7[%dma_start3A_128, %dma_start3A_134] : memref<8x128xi32, #tpu.memory_space<vmem>> -> memref<1x128xi32, #tpu.memory_space<vmem>>
    %dma_start3A_136 = tpu.memref_squeeze %dma_start3A_135 : memref<1x128xi32, #tpu.memory_space<vmem>> -> memref<128xi32, #tpu.memory_space<vmem>>
    %dma_start3A_137 = arith.constant 0 : i32
    %dma_start3A_138 = arith.constant 0 : i32
    %dma_start3A_139 = tpu.memref_slice %arg4[%dma_start3A_137, %dma_start3A_138] : memref<262144x128xf32, #tpu.memory_space<hbm>> -> memref<262144x128xf32, #tpu.memory_space<hbm>>
    tpu.enqueue_indirect_dma source(%dma_start3A_139 : memref<262144x128xf32, #tpu.memory_space<hbm>>) target(%dma_start3A_133 : memref<128x128xf32, #tpu.memory_space<vmem>>) offsets(%dma_start3A_136 : memref<128xi32, #tpu.memory_space<vmem>>) semaphore(%arg11 : memref<!tpu.dma_semaphore, #tpu.memory_space<semaphore_mem>>)
    %dma_start3A_140 = arith.constant 3 : i32
    %dma_start3A_141 = arith.constant 1 : i32
    %dma_start3A_142 = arith.constant 0 : i32
    %dma_start3A_143 = arith.constant 0 : i32
    %dma_start3A_144 = tpu.memref_slice %arg10[%dma_start3A_141, %dma_start3A_142, %dma_start3A_143] : memref<2x128x128xf32, #tpu.memory_space<vmem>> -> memref<1x128x128xf32, #tpu.memory_space<vmem>>
    %dma_start3A_145 = tpu.memref_squeeze %dma_start3A_144 : memref<1x128x128xf32, #tpu.memory_space<vmem>> -> memref<128x128xf32, #tpu.memory_space<vmem>>
    %dma_start3A_146 = arith.constant 0 : i32
    %dma_start3A_147 = tpu.memref_slice %arg8[%dma_start3A_140, %dma_start3A_146] : memref<8x128xi32, #tpu.memory_space<vmem>> -> memref<1x128xi32, #tpu.memory_space<vmem>>
    %dma_start3A_148 = tpu.memref_squeeze %dma_start3A_147 : memref<1x128xi32, #tpu.memory_space<vmem>> -> memref<128xi32, #tpu.memory_space<vmem>>
    %dma_start3A_149 = arith.constant 0 : i32
    %dma_start3A_150 = arith.constant 0 : i32
    %dma_start3A_151 = tpu.memref_slice %arg4[%dma_start3A_149, %dma_start3A_150] : memref<262144x128xf32, #tpu.memory_space<hbm>> -> memref<262144x128xf32, #tpu.memory_space<hbm>>
    tpu.enqueue_indirect_dma source(%dma_start3A_151 : memref<262144x128xf32, #tpu.memory_space<hbm>>) target(%dma_start3A_145 : memref<128x128xf32, #tpu.memory_space<vmem>>) offsets(%dma_start3A_148 : memref<128xi32, #tpu.memory_space<vmem>>) semaphore(%arg12 : memref<!tpu.dma_semaphore, #tpu.memory_space<semaphore_mem>>)
    %dma_wait3A_152 = arith.constant 2 : i32
    %dma_wait3A_153 = arith.constant 0 : i32
    %dma_wait3A_154 = arith.constant 0 : i32
    %dma_wait3A_155 = arith.constant 0 : i32
    %dma_wait3A_156 = tpu.memref_slice %arg9[%dma_wait3A_153, %dma_wait3A_154, %dma_wait3A_155] : memref<2x128x128xf32, #tpu.memory_space<vmem>> -> memref<1x128x128xf32, #tpu.memory_space<vmem>>
    %dma_wait3A_157 = tpu.memref_squeeze %dma_wait3A_156 : memref<1x128x128xf32, #tpu.memory_space<vmem>> -> memref<128x128xf32, #tpu.memory_space<vmem>>
    %dma_wait3A_158 = arith.constant 0 : i32
    %dma_wait3A_159 = tpu.memref_slice %arg7[%dma_wait3A_152, %dma_wait3A_158] : memref<8x128xi32, #tpu.memory_space<vmem>> -> memref<1x128xi32, #tpu.memory_space<vmem>>
    %dma_wait3A_160 = tpu.memref_squeeze %dma_wait3A_159 : memref<1x128xi32, #tpu.memory_space<vmem>> -> memref<128xi32, #tpu.memory_space<vmem>>
    %dma_wait3A_161 = arith.constant 0 : i32
    %dma_wait3A_162 = arith.constant 0 : i32
    %dma_wait3A_163 = tpu.memref_slice %arg4[%dma_wait3A_161, %dma_wait3A_162] : memref<262144x128xf32, #tpu.memory_space<hbm>> -> memref<262144x128xf32, #tpu.memory_space<hbm>>
    tpu.wait_indirect_dma semaphore(%arg11 : memref<!tpu.dma_semaphore, #tpu.memory_space<semaphore_mem>>) src(%dma_wait3A_163 : memref<262144x128xf32, #tpu.memory_space<hbm>>) dst(%dma_wait3A_157 : memref<128x128xf32, #tpu.memory_space<vmem>>)
    %dma_wait3A_164 = arith.constant 2 : i32
    %dma_wait3A_165 = arith.constant 0 : i32
    %dma_wait3A_166 = arith.constant 0 : i32
    %dma_wait3A_167 = arith.constant 0 : i32
    %dma_wait3A_168 = tpu.memref_slice %arg10[%dma_wait3A_165, %dma_wait3A_166, %dma_wait3A_167] : memref<2x128x128xf32, #tpu.memory_space<vmem>> -> memref<1x128x128xf32, #tpu.memory_space<vmem>>
    %dma_wait3A_169 = tpu.memref_squeeze %dma_wait3A_168 : memref<1x128x128xf32, #tpu.memory_space<vmem>> -> memref<128x128xf32, #tpu.memory_space<vmem>>
    %dma_wait3A_170 = arith.constant 0 : i32
    %dma_wait3A_171 = tpu.memref_slice %arg8[%dma_wait3A_164, %dma_wait3A_170] : memref<8x128xi32, #tpu.memory_space<vmem>> -> memref<1x128xi32, #tpu.memory_space<vmem>>
    %dma_wait3A_172 = tpu.memref_squeeze %dma_wait3A_171 : memref<1x128xi32, #tpu.memory_space<vmem>> -> memref<128xi32, #tpu.memory_space<vmem>>
    %dma_wait3A_173 = arith.constant 0 : i32
    %dma_wait3A_174 = arith.constant 0 : i32
    %dma_wait3A_175 = tpu.memref_slice %arg4[%dma_wait3A_173, %dma_wait3A_174] : memref<262144x128xf32, #tpu.memory_space<hbm>> -> memref<262144x128xf32, #tpu.memory_space<hbm>>
    tpu.wait_indirect_dma semaphore(%arg12 : memref<!tpu.dma_semaphore, #tpu.memory_space<semaphore_mem>>) src(%dma_wait3A_175 : memref<262144x128xf32, #tpu.memory_space<hbm>>) dst(%dma_wait3A_169 : memref<128x128xf32, #tpu.memory_space<vmem>>)
    %add3A_176 = arith.constant 256 : i32
    %add3A_177 = arith.addi %mul3A_2, %add3A_176 : i32
    %run_scoped3A_178 = arith.constant 0 : i32
    "tpu.region"() ({
      %run_scoped3A_208 = tpu.sem_alloc : memref<!tpu.dma_semaphore, #tpu.memory_space<semaphore_mem>>
      %dma_start3A_209 = arith.constant 0 : i32
      %dma_start3A_210 = arith.constant 0 : i32
      %dma_start3A_211 = tpu.memref_slice %arg9[%run_scoped3A_178, %dma_start3A_209, %dma_start3A_210] : memref<2x128x128xf32, #tpu.memory_space<vmem>> -> memref<1x128x128xf32, #tpu.memory_space<vmem>>
      %dma_start3A_212 = tpu.memref_squeeze %dma_start3A_211 : memref<1x128x128xf32, #tpu.memory_space<vmem>> -> memref<128x128xf32, #tpu.memory_space<vmem>>
      %dma_start3A_213 = arith.constant 0 : i32
      %dma_start3A_214 = tpu.memref_slice %arg5[%add3A_177, %dma_start3A_213] : memref<16384x128xf32, #tpu.memory_space<hbm>> -> memref<128x128xf32, #tpu.memory_space<hbm>>
      %dma_start3A_215 = arith.constant 0 : i32
      %dma_start3A_216 = tpu.memref_slice %arg5[%add3A_177, %dma_start3A_215] : memref<16384x128xf32, #tpu.memory_space<hbm>> -> memref<128x128xf32, #tpu.memory_space<hbm>>
      %dma_start3A_217 = arith.constant 0 : i32
      %dma_start3A_218 = arith.constant 0 : i32
      %dma_start3A_219 = tpu.memref_slice %arg9[%run_scoped3A_178, %dma_start3A_217, %dma_start3A_218] : memref<2x128x128xf32, #tpu.memory_space<vmem>> -> memref<1x128x128xf32, #tpu.memory_space<vmem>>
      %dma_start3A_220 = tpu.memref_squeeze %dma_start3A_219 : memref<1x128x128xf32, #tpu.memory_space<vmem>> -> memref<128x128xf32, #tpu.memory_space<vmem>>
      tpu.enqueue_dma source(%dma_start3A_220 : memref<128x128xf32, #tpu.memory_space<vmem>>) target(%dma_start3A_216 : memref<128x128xf32, #tpu.memory_space<hbm>>) target_semaphore(%run_scoped3A_208 : memref<!tpu.dma_semaphore, #tpu.memory_space<semaphore_mem>>)
      %dma_wait3A_221 = arith.constant 0 : i32
      %dma_wait3A_222 = arith.constant 0 : i32
      %dma_wait3A_223 = tpu.memref_slice %arg9[%run_scoped3A_178, %dma_wait3A_221, %dma_wait3A_222] : memref<2x128x128xf32, #tpu.memory_space<vmem>> -> memref<1x128x128xf32, #tpu.memory_space<vmem>>
      %dma_wait3A_224 = tpu.memref_squeeze %dma_wait3A_223 : memref<1x128x128xf32, #tpu.memory_space<vmem>> -> memref<128x128xf32, #tpu.memory_space<vmem>>
      %dma_wait3A_225 = arith.constant 0 : i32
      %dma_wait3A_226 = tpu.memref_slice %arg5[%add3A_177, %dma_wait3A_225] : memref<16384x128xf32, #tpu.memory_space<hbm>> -> memref<128x128xf32, #tpu.memory_space<hbm>>
      %dma_wait3A_227 = arith.constant 0 : i32
      %dma_wait3A_228 = tpu.memref_slice %arg5[%add3A_177, %dma_wait3A_227] : memref<16384x128xf32, #tpu.memory_space<hbm>> -> memref<128x128xf32, #tpu.memory_space<hbm>>
      %dma_wait3A_229 = arith.constant 0 : i32
      %dma_wait3A_230 = arith.constant 0 : i32
      %dma_wait3A_231 = tpu.memref_slice %arg9[%run_scoped3A_178, %dma_wait3A_229, %dma_wait3A_230] : memref<2x128x128xf32, #tpu.memory_space<vmem>> -> memref<1x128x128xf32, #tpu.memory_space<vmem>>
      %dma_wait3A_232 = tpu.memref_squeeze %dma_wait3A_231 : memref<1x128x128xf32, #tpu.memory_space<vmem>> -> memref<128x128xf32, #tpu.memory_space<vmem>>
      tpu.wait_dma2 semaphore(%run_scoped3A_208 : memref<!tpu.dma_semaphore, #tpu.memory_space<semaphore_mem>>) src(%dma_wait3A_232 : memref<128x128xf32, #tpu.memory_space<vmem>>) dst(%dma_wait3A_228 : memref<128x128xf32, #tpu.memory_space<hbm>>)
      tpu.yield
    }) : () -> ()
    %run_scoped3A_179 = arith.constant 0 : i32
    "tpu.region"() ({
      %run_scoped3A_208 = tpu.sem_alloc : memref<!tpu.dma_semaphore, #tpu.memory_space<semaphore_mem>>
      %dma_start3A_209 = arith.constant 0 : i32
      %dma_start3A_210 = arith.constant 0 : i32
      %dma_start3A_211 = tpu.memref_slice %arg10[%run_scoped3A_179, %dma_start3A_209, %dma_start3A_210] : memref<2x128x128xf32, #tpu.memory_space<vmem>> -> memref<1x128x128xf32, #tpu.memory_space<vmem>>
      %dma_start3A_212 = tpu.memref_squeeze %dma_start3A_211 : memref<1x128x128xf32, #tpu.memory_space<vmem>> -> memref<128x128xf32, #tpu.memory_space<vmem>>
      %dma_start3A_213 = arith.constant 0 : i32
      %dma_start3A_214 = tpu.memref_slice %arg6[%add3A_177, %dma_start3A_213] : memref<16384x128xf32, #tpu.memory_space<hbm>> -> memref<128x128xf32, #tpu.memory_space<hbm>>
      %dma_start3A_215 = arith.constant 0 : i32
      %dma_start3A_216 = tpu.memref_slice %arg6[%add3A_177, %dma_start3A_215] : memref<16384x128xf32, #tpu.memory_space<hbm>> -> memref<128x128xf32, #tpu.memory_space<hbm>>
      %dma_start3A_217 = arith.constant 0 : i32
      %dma_start3A_218 = arith.constant 0 : i32
      %dma_start3A_219 = tpu.memref_slice %arg10[%run_scoped3A_179, %dma_start3A_217, %dma_start3A_218] : memref<2x128x128xf32, #tpu.memory_space<vmem>> -> memref<1x128x128xf32, #tpu.memory_space<vmem>>
      %dma_start3A_220 = tpu.memref_squeeze %dma_start3A_219 : memref<1x128x128xf32, #tpu.memory_space<vmem>> -> memref<128x128xf32, #tpu.memory_space<vmem>>
      tpu.enqueue_dma source(%dma_start3A_220 : memref<128x128xf32, #tpu.memory_space<vmem>>) target(%dma_start3A_216 : memref<128x128xf32, #tpu.memory_space<hbm>>) target_semaphore(%run_scoped3A_208 : memref<!tpu.dma_semaphore, #tpu.memory_space<semaphore_mem>>)
      %dma_wait3A_221 = arith.constant 0 : i32
      %dma_wait3A_222 = arith.constant 0 : i32
      %dma_wait3A_223 = tpu.memref_slice %arg10[%run_scoped3A_179, %dma_wait3A_221, %dma_wait3A_222] : memref<2x128x128xf32, #tpu.memory_space<vmem>> -> memref<1x128x128xf32, #tpu.memory_space<vmem>>
      %dma_wait3A_224 = tpu.memref_squeeze %dma_wait3A_223 : memref<1x128x128xf32, #tpu.memory_space<vmem>> -> memref<128x128xf32, #tpu.memory_space<vmem>>
      %dma_wait3A_225 = arith.constant 0 : i32
      %dma_wait3A_226 = tpu.memref_slice %arg6[%add3A_177, %dma_wait3A_225] : memref<16384x128xf32, #tpu.memory_space<hbm>> -> memref<128x128xf32, #tpu.memory_space<hbm>>
      %dma_wait3A_227 = arith.constant 0 : i32
      %dma_wait3A_228 = tpu.memref_slice %arg6[%add3A_177, %dma_wait3A_227] : memref<16384x128xf32, #tpu.memory_space<hbm>> -> memref<128x128xf32, #tpu.memory_space<hbm>>
      %dma_wait3A_229 = arith.constant 0 : i32
      %dma_wait3A_230 = arith.constant 0 : i32
      %dma_wait3A_231 = tpu.memref_slice %arg10[%run_scoped3A_179, %dma_wait3A_229, %dma_wait3A_230] : memref<2x128x128xf32, #tpu.memory_space<vmem>> -> memref<1x128x128xf32, #tpu.memory_space<vmem>>
      %dma_wait3A_232 = tpu.memref_squeeze %dma_wait3A_231 : memref<1x128x128xf32, #tpu.memory_space<vmem>> -> memref<128x128xf32, #tpu.memory_space<vmem>>
      tpu.wait_dma2 semaphore(%run_scoped3A_208 : memref<!tpu.dma_semaphore, #tpu.memory_space<semaphore_mem>>) src(%dma_wait3A_232 : memref<128x128xf32, #tpu.memory_space<vmem>>) dst(%dma_wait3A_228 : memref<128x128xf32, #tpu.memory_space<hbm>>)
      tpu.yield
    }) : () -> ()
    %dma_wait3A_180 = arith.constant 3 : i32
    %dma_wait3A_181 = arith.constant 1 : i32
    %dma_wait3A_182 = arith.constant 0 : i32
    %dma_wait3A_183 = arith.constant 0 : i32
    %dma_wait3A_184 = tpu.memref_slice %arg9[%dma_wait3A_181, %dma_wait3A_182, %dma_wait3A_183] : memref<2x128x128xf32, #tpu.memory_space<vmem>> -> memref<1x128x128xf32, #tpu.memory_space<vmem>>
    %dma_wait3A_185 = tpu.memref_squeeze %dma_wait3A_184 : memref<1x128x128xf32, #tpu.memory_space<vmem>> -> memref<128x128xf32, #tpu.memory_space<vmem>>
    %dma_wait3A_186 = arith.constant 0 : i32
    %dma_wait3A_187 = tpu.memref_slice %arg7[%dma_wait3A_180, %dma_wait3A_186] : memref<8x128xi32, #tpu.memory_space<vmem>> -> memref<1x128xi32, #tpu.memory_space<vmem>>
    %dma_wait3A_188 = tpu.memref_squeeze %dma_wait3A_187 : memref<1x128xi32, #tpu.memory_space<vmem>> -> memref<128xi32, #tpu.memory_space<vmem>>
    %dma_wait3A_189 = arith.constant 0 : i32
    %dma_wait3A_190 = arith.constant 0 : i32
    %dma_wait3A_191 = tpu.memref_slice %arg4[%dma_wait3A_189, %dma_wait3A_190] : memref<262144x128xf32, #tpu.memory_space<hbm>> -> memref<262144x128xf32, #tpu.memory_space<hbm>>
    tpu.wait_indirect_dma semaphore(%arg11 : memref<!tpu.dma_semaphore, #tpu.memory_space<semaphore_mem>>) src(%dma_wait3A_191 : memref<262144x128xf32, #tpu.memory_space<hbm>>) dst(%dma_wait3A_185 : memref<128x128xf32, #tpu.memory_space<vmem>>)
    %dma_wait3A_192 = arith.constant 3 : i32
    %dma_wait3A_193 = arith.constant 1 : i32
    %dma_wait3A_194 = arith.constant 0 : i32
    %dma_wait3A_195 = arith.constant 0 : i32
    %dma_wait3A_196 = tpu.memref_slice %arg10[%dma_wait3A_193, %dma_wait3A_194, %dma_wait3A_195] : memref<2x128x128xf32, #tpu.memory_space<vmem>> -> memref<1x128x128xf32, #tpu.memory_space<vmem>>
    %dma_wait3A_197 = tpu.memref_squeeze %dma_wait3A_196 : memref<1x128x128xf32, #tpu.memory_space<vmem>> -> memref<128x128xf32, #tpu.memory_space<vmem>>
    %dma_wait3A_198 = arith.constant 0 : i32
    %dma_wait3A_199 = tpu.memref_slice %arg8[%dma_wait3A_192, %dma_wait3A_198] : memref<8x128xi32, #tpu.memory_space<vmem>> -> memref<1x128xi32, #tpu.memory_space<vmem>>
    %dma_wait3A_200 = tpu.memref_squeeze %dma_wait3A_199 : memref<1x128xi32, #tpu.memory_space<vmem>> -> memref<128xi32, #tpu.memory_space<vmem>>
    %dma_wait3A_201 = arith.constant 0 : i32
    %dma_wait3A_202 = arith.constant 0 : i32
    %dma_wait3A_203 = tpu.memref_slice %arg4[%dma_wait3A_201, %dma_wait3A_202] : memref<262144x128xf32, #tpu.memory_space<hbm>> -> memref<262144x128xf32, #tpu.memory_space<hbm>>
    tpu.wait_indirect_dma semaphore(%arg12 : memref<!tpu.dma_semaphore, #tpu.memory_space<semaphore_mem>>) src(%dma_wait3A_203 : memref<262144x128xf32, #tpu.memory_space<hbm>>) dst(%dma_wait3A_197 : memref<128x128xf32, #tpu.memory_space<vmem>>)
    %add3A_204 = arith.constant 384 : i32
    %add3A_205 = arith.addi %mul3A_2, %add3A_204 : i32
    %run_scoped3A_206 = arith.constant 1 : i32
    "tpu.region"() ({
      %run_scoped3A_208 = tpu.sem_alloc : memref<!tpu.dma_semaphore, #tpu.memory_space<semaphore_mem>>
      %dma_start3A_209 = arith.constant 0 : i32
      %dma_start3A_210 = arith.constant 0 : i32
      %dma_start3A_211 = tpu.memref_slice %arg9[%run_scoped3A_206, %dma_start3A_209, %dma_start3A_210] : memref<2x128x128xf32, #tpu.memory_space<vmem>> -> memref<1x128x128xf32, #tpu.memory_space<vmem>>
      %dma_start3A_212 = tpu.memref_squeeze %dma_start3A_211 : memref<1x128x128xf32, #tpu.memory_space<vmem>> -> memref<128x128xf32, #tpu.memory_space<vmem>>
      %dma_start3A_213 = arith.constant 0 : i32
      %dma_start3A_214 = tpu.memref_slice %arg5[%add3A_205, %dma_start3A_213] : memref<16384x128xf32, #tpu.memory_space<hbm>> -> memref<128x128xf32, #tpu.memory_space<hbm>>
      %dma_start3A_215 = arith.constant 0 : i32
      %dma_start3A_216 = tpu.memref_slice %arg5[%add3A_205, %dma_start3A_215] : memref<16384x128xf32, #tpu.memory_space<hbm>> -> memref<128x128xf32, #tpu.memory_space<hbm>>
      %dma_start3A_217 = arith.constant 0 : i32
      %dma_start3A_218 = arith.constant 0 : i32
      %dma_start3A_219 = tpu.memref_slice %arg9[%run_scoped3A_206, %dma_start3A_217, %dma_start3A_218] : memref<2x128x128xf32, #tpu.memory_space<vmem>> -> memref<1x128x128xf32, #tpu.memory_space<vmem>>
      %dma_start3A_220 = tpu.memref_squeeze %dma_start3A_219 : memref<1x128x128xf32, #tpu.memory_space<vmem>> -> memref<128x128xf32, #tpu.memory_space<vmem>>
      tpu.enqueue_dma source(%dma_start3A_220 : memref<128x128xf32, #tpu.memory_space<vmem>>) target(%dma_start3A_216 : memref<128x128xf32, #tpu.memory_space<hbm>>) target_semaphore(%run_scoped3A_208 : memref<!tpu.dma_semaphore, #tpu.memory_space<semaphore_mem>>)
      %dma_wait3A_221 = arith.constant 0 : i32
      %dma_wait3A_222 = arith.constant 0 : i32
      %dma_wait3A_223 = tpu.memref_slice %arg9[%run_scoped3A_206, %dma_wait3A_221, %dma_wait3A_222] : memref<2x128x128xf32, #tpu.memory_space<vmem>> -> memref<1x128x128xf32, #tpu.memory_space<vmem>>
      %dma_wait3A_224 = tpu.memref_squeeze %dma_wait3A_223 : memref<1x128x128xf32, #tpu.memory_space<vmem>> -> memref<128x128xf32, #tpu.memory_space<vmem>>
      %dma_wait3A_225 = arith.constant 0 : i32
      %dma_wait3A_226 = tpu.memref_slice %arg5[%add3A_205, %dma_wait3A_225] : memref<16384x128xf32, #tpu.memory_space<hbm>> -> memref<128x128xf32, #tpu.memory_space<hbm>>
      %dma_wait3A_227 = arith.constant 0 : i32
      %dma_wait3A_228 = tpu.memref_slice %arg5[%add3A_205, %dma_wait3A_227] : memref<16384x128xf32, #tpu.memory_space<hbm>> -> memref<128x128xf32, #tpu.memory_space<hbm>>
      %dma_wait3A_229 = arith.constant 0 : i32
      %dma_wait3A_230 = arith.constant 0 : i32
      %dma_wait3A_231 = tpu.memref_slice %arg9[%run_scoped3A_206, %dma_wait3A_229, %dma_wait3A_230] : memref<2x128x128xf32, #tpu.memory_space<vmem>> -> memref<1x128x128xf32, #tpu.memory_space<vmem>>
      %dma_wait3A_232 = tpu.memref_squeeze %dma_wait3A_231 : memref<1x128x128xf32, #tpu.memory_space<vmem>> -> memref<128x128xf32, #tpu.memory_space<vmem>>
      tpu.wait_dma2 semaphore(%run_scoped3A_208 : memref<!tpu.dma_semaphore, #tpu.memory_space<semaphore_mem>>) src(%dma_wait3A_232 : memref<128x128xf32, #tpu.memory_space<vmem>>) dst(%dma_wait3A_228 : memref<128x128xf32, #tpu.memory_space<hbm>>)
      tpu.yield
    }) : () -> ()
    %run_scoped3A_207 = arith.constant 1 : i32
    "tpu.region"() ({
      %run_scoped3A_208 = tpu.sem_alloc : memref<!tpu.dma_semaphore, #tpu.memory_space<semaphore_mem>>
      %dma_start3A_209 = arith.constant 0 : i32
      %dma_start3A_210 = arith.constant 0 : i32
      %dma_start3A_211 = tpu.memref_slice %arg10[%run_scoped3A_207, %dma_start3A_209, %dma_start3A_210] : memref<2x128x128xf32, #tpu.memory_space<vmem>> -> memref<1x128x128xf32, #tpu.memory_space<vmem>>
      %dma_start3A_212 = tpu.memref_squeeze %dma_start3A_211 : memref<1x128x128xf32, #tpu.memory_space<vmem>> -> memref<128x128xf32, #tpu.memory_space<vmem>>
      %dma_start3A_213 = arith.constant 0 : i32
      %dma_start3A_214 = tpu.memref_slice %arg6[%add3A_205, %dma_start3A_213] : memref<16384x128xf32, #tpu.memory_space<hbm>> -> memref<128x128xf32, #tpu.memory_space<hbm>>
      %dma_start3A_215 = arith.constant 0 : i32
      %dma_start3A_216 = tpu.memref_slice %arg6[%add3A_205, %dma_start3A_215] : memref<16384x128xf32, #tpu.memory_space<hbm>> -> memref<128x128xf32, #tpu.memory_space<hbm>>
      %dma_start3A_217 = arith.constant 0 : i32
      %dma_start3A_218 = arith.constant 0 : i32
      %dma_start3A_219 = tpu.memref_slice %arg10[%run_scoped3A_207, %dma_start3A_217, %dma_start3A_218] : memref<2x128x128xf32, #tpu.memory_space<vmem>> -> memref<1x128x128xf32, #tpu.memory_space<vmem>>
      %dma_start3A_220 = tpu.memref_squeeze %dma_start3A_219 : memref<1x128x128xf32, #tpu.memory_space<vmem>> -> memref<128x128xf32, #tpu.memory_space<vmem>>
      tpu.enqueue_dma source(%dma_start3A_220 : memref<128x128xf32, #tpu.memory_space<vmem>>) target(%dma_start3A_216 : memref<128x128xf32, #tpu.memory_space<hbm>>) target_semaphore(%run_scoped3A_208 : memref<!tpu.dma_semaphore, #tpu.memory_space<semaphore_mem>>)
      %dma_wait3A_221 = arith.constant 0 : i32
      %dma_wait3A_222 = arith.constant 0 : i32
      %dma_wait3A_223 = tpu.memref_slice %arg10[%run_scoped3A_207, %dma_wait3A_221, %dma_wait3A_222] : memref<2x128x128xf32, #tpu.memory_space<vmem>> -> memref<1x128x128xf32, #tpu.memory_space<vmem>>
      %dma_wait3A_224 = tpu.memref_squeeze %dma_wait3A_223 : memref<1x128x128xf32, #tpu.memory_space<vmem>> -> memref<128x128xf32, #tpu.memory_space<vmem>>
      %dma_wait3A_225 = arith.constant 0 : i32
      %dma_wait3A_226 = tpu.memref_slice %arg6[%add3A_205, %dma_wait3A_225] : memref<16384x128xf32, #tpu.memory_space<hbm>> -> memref<128x128xf32, #tpu.memory_space<hbm>>
      %dma_wait3A_227 = arith.constant 0 : i32
      %dma_wait3A_228 = tpu.memref_slice %arg6[%add3A_205, %dma_wait3A_227] : memref<16384x128xf32, #tpu.memory_space<hbm>> -> memref<128x128xf32, #tpu.memory_space<hbm>>
      %dma_wait3A_229 = arith.constant 0 : i32
      %dma_wait3A_230 = arith.constant 0 : i32
      %dma_wait3A_231 = tpu.memref_slice %arg10[%run_scoped3A_207, %dma_wait3A_229, %dma_wait3A_230] : memref<2x128x128xf32, #tpu.memory_space<vmem>> -> memref<1x128x128xf32, #tpu.memory_space<vmem>>
      %dma_wait3A_232 = tpu.memref_squeeze %dma_wait3A_231 : memref<1x128x128xf32, #tpu.memory_space<vmem>> -> memref<128x128xf32, #tpu.memory_space<vmem>>
      tpu.wait_dma2 semaphore(%run_scoped3A_208 : memref<!tpu.dma_semaphore, #tpu.memory_space<semaphore_mem>>) src(%dma_wait3A_232 : memref<128x128xf32, #tpu.memory_space<vmem>>) dst(%dma_wait3A_228 : memref<128x128xf32, #tpu.memory_space<hbm>>)
      tpu.yield
    }) : () -> ()
    return
  }
}

#map = affine_map<(d0, d1) -> (0, 0, 0)>
#map1 = affine_map<(d0, d1) -> (0, 0)>
module attributes {stable_mosaic.version = 14 : i64} {
  func.func @k(%arg0: i32, %arg1: i32, %arg2: memref<32x8x128xi32, #tpu.memory_space<hbm>>, %arg3: memref<262144x128xf32, #tpu.memory_space<hbm>>, %arg4: memref<16384x128xf32, #tpu.memory_space<hbm>>, %arg5: memref<8x128xi32, #tpu.memory_space<vmem>>, %arg6: memref<2x128x128xf32, #tpu.memory_space<vmem>>, %arg7: memref<!tpu.dma_semaphore, #tpu.memory_space<semaphore_mem>>) attributes {dimension_semantics = [#tpu.dimension_semantics<core_parallel>, #tpu.dimension_semantics<subcore_parallel>], iteration_bounds = array<i64: 2, 16>, scalar_prefetch = 0 : i64, scratch_operands = 3 : i64, tpu.core_type = #tpu.core_type<sc_vector_subcore>, window_params = [{transform_indices = #map}, {transform_indices = #map1}, {transform_indices = #map1}]} {
    %mul3A = arith.constant 2 : i32
    %mul3A_0 = arith.muli %arg1, %mul3A : i32
    %add3A = arith.addi %mul3A_0, %arg0 : i32
    %mul3A_1 = arith.constant 512 : i32
    %mul3A_2 = arith.muli %add3A, %mul3A_1 : i32
    "tpu.region"() ({
      %run_scoped3A_108 = tpu.sem_alloc : memref<!tpu.dma_semaphore, #tpu.memory_space<semaphore_mem>>
      %dma_start3A_109 = arith.constant 0 : i32
      %dma_start3A_110 = arith.constant 0 : i32
      %dma_start3A_111 = tpu.memref_slice %arg2[%add3A, %dma_start3A_109, %dma_start3A_110] : memref<32x8x128xi32, #tpu.memory_space<hbm>> -> memref<1x8x128xi32, #tpu.memory_space<hbm>>
      %dma_start3A_112 = tpu.memref_squeeze %dma_start3A_111 : memref<1x8x128xi32, #tpu.memory_space<hbm>> -> memref<8x128xi32, #tpu.memory_space<hbm>>
      %dma_start3A_113 = arith.constant 0 : i32
      %dma_start3A_114 = arith.constant 0 : i32
      %dma_start3A_115 = tpu.memref_slice %arg2[%add3A, %dma_start3A_113, %dma_start3A_114] : memref<32x8x128xi32, #tpu.memory_space<hbm>> -> memref<1x8x128xi32, #tpu.memory_space<hbm>>
      %dma_start3A_116 = tpu.memref_squeeze %dma_start3A_115 : memref<1x8x128xi32, #tpu.memory_space<hbm>> -> memref<8x128xi32, #tpu.memory_space<hbm>>
      tpu.enqueue_dma source(%dma_start3A_116 : memref<8x128xi32, #tpu.memory_space<hbm>>) target(%arg5 : memref<8x128xi32, #tpu.memory_space<vmem>>) target_semaphore(%run_scoped3A_108 : memref<!tpu.dma_semaphore, #tpu.memory_space<semaphore_mem>>)
      %dma_wait3A_117 = arith.constant 0 : i32
      %dma_wait3A_118 = arith.constant 0 : i32
      %dma_wait3A_119 = tpu.memref_slice %arg2[%add3A, %dma_wait3A_117, %dma_wait3A_118] : memref<32x8x128xi32, #tpu.memory_space<hbm>> -> memref<1x8x128xi32, #tpu.memory_space<hbm>>
      %dma_wait3A_120 = tpu.memref_squeeze %dma_wait3A_119 : memref<1x8x128xi32, #tpu.memory_space<hbm>> -> memref<8x128xi32, #tpu.memory_space<hbm>>
      %dma_wait3A_121 = arith.constant 0 : i32
      %dma_wait3A_122 = arith.constant 0 : i32
      %dma_wait3A_123 = tpu.memref_slice %arg2[%add3A, %dma_wait3A_121, %dma_wait3A_122] : memref<32x8x128xi32, #tpu.memory_space<hbm>> -> memref<1x8x128xi32, #tpu.memory_space<hbm>>
      %dma_wait3A_124 = tpu.memref_squeeze %dma_wait3A_123 : memref<1x8x128xi32, #tpu.memory_space<hbm>> -> memref<8x128xi32, #tpu.memory_space<hbm>>
      tpu.wait_dma2 semaphore(%run_scoped3A_108 : memref<!tpu.dma_semaphore, #tpu.memory_space<semaphore_mem>>) src(%dma_wait3A_124 : memref<8x128xi32, #tpu.memory_space<hbm>>) dst(%arg5 : memref<8x128xi32, #tpu.memory_space<vmem>>)
      tpu.yield
    }) : () -> ()
    %dma_start3A = arith.constant 0 : i32
    %dma_start3A_3 = arith.constant 0 : i32
    %dma_start3A_4 = arith.constant 0 : i32
    %dma_start3A_5 = arith.constant 0 : i32
    %dma_start3A_6 = tpu.memref_slice %arg6[%dma_start3A_3, %dma_start3A_4, %dma_start3A_5] : memref<2x128x128xf32, #tpu.memory_space<vmem>> -> memref<1x128x128xf32, #tpu.memory_space<vmem>>
    %dma_start3A_7 = tpu.memref_squeeze %dma_start3A_6 : memref<1x128x128xf32, #tpu.memory_space<vmem>> -> memref<128x128xf32, #tpu.memory_space<vmem>>
    %dma_start3A_8 = arith.constant 0 : i32
    %dma_start3A_9 = tpu.memref_slice %arg5[%dma_start3A, %dma_start3A_8] : memref<8x128xi32, #tpu.memory_space<vmem>> -> memref<1x128xi32, #tpu.memory_space<vmem>>
    %dma_start3A_10 = tpu.memref_squeeze %dma_start3A_9 : memref<1x128xi32, #tpu.memory_space<vmem>> -> memref<128xi32, #tpu.memory_space<vmem>>
    %dma_start3A_11 = arith.constant 0 : i32
    %dma_start3A_12 = arith.constant 0 : i32
    %dma_start3A_13 = tpu.memref_slice %arg3[%dma_start3A_11, %dma_start3A_12] : memref<262144x128xf32, #tpu.memory_space<hbm>> -> memref<262144x128xf32, #tpu.memory_space<hbm>>
    tpu.enqueue_indirect_dma source(%dma_start3A_13 : memref<262144x128xf32, #tpu.memory_space<hbm>>) target(%dma_start3A_7 : memref<128x128xf32, #tpu.memory_space<vmem>>) offsets(%dma_start3A_10 : memref<128xi32, #tpu.memory_space<vmem>>) semaphore(%arg7 : memref<!tpu.dma_semaphore, #tpu.memory_space<semaphore_mem>>)
    %dma_start3A_14 = arith.constant 1 : i32
    %dma_start3A_15 = arith.constant 1 : i32
    %dma_start3A_16 = arith.constant 0 : i32
    %dma_start3A_17 = arith.constant 0 : i32
    %dma_start3A_18 = tpu.memref_slice %arg6[%dma_start3A_15, %dma_start3A_16, %dma_start3A_17] : memref<2x128x128xf32, #tpu.memory_space<vmem>> -> memref<1x128x128xf32, #tpu.memory_space<vmem>>
    %dma_start3A_19 = tpu.memref_squeeze %dma_start3A_18 : memref<1x128x128xf32, #tpu.memory_space<vmem>> -> memref<128x128xf32, #tpu.memory_space<vmem>>
    %dma_start3A_20 = arith.constant 0 : i32
    %dma_start3A_21 = tpu.memref_slice %arg5[%dma_start3A_14, %dma_start3A_20] : memref<8x128xi32, #tpu.memory_space<vmem>> -> memref<1x128xi32, #tpu.memory_space<vmem>>
    %dma_start3A_22 = tpu.memref_squeeze %dma_start3A_21 : memref<1x128xi32, #tpu.memory_space<vmem>> -> memref<128xi32, #tpu.memory_space<vmem>>
    %dma_start3A_23 = arith.constant 0 : i32
    %dma_start3A_24 = arith.constant 0 : i32
    %dma_start3A_25 = tpu.memref_slice %arg3[%dma_start3A_23, %dma_start3A_24] : memref<262144x128xf32, #tpu.memory_space<hbm>> -> memref<262144x128xf32, #tpu.memory_space<hbm>>
    tpu.enqueue_indirect_dma source(%dma_start3A_25 : memref<262144x128xf32, #tpu.memory_space<hbm>>) target(%dma_start3A_19 : memref<128x128xf32, #tpu.memory_space<vmem>>) offsets(%dma_start3A_22 : memref<128xi32, #tpu.memory_space<vmem>>) semaphore(%arg7 : memref<!tpu.dma_semaphore, #tpu.memory_space<semaphore_mem>>)
    %dma_wait3A = arith.constant 0 : i32
    %dma_wait3A_26 = arith.constant 0 : i32
    %dma_wait3A_27 = arith.constant 0 : i32
    %dma_wait3A_28 = arith.constant 0 : i32
    %dma_wait3A_29 = tpu.memref_slice %arg6[%dma_wait3A_26, %dma_wait3A_27, %dma_wait3A_28] : memref<2x128x128xf32, #tpu.memory_space<vmem>> -> memref<1x128x128xf32, #tpu.memory_space<vmem>>
    %dma_wait3A_30 = tpu.memref_squeeze %dma_wait3A_29 : memref<1x128x128xf32, #tpu.memory_space<vmem>> -> memref<128x128xf32, #tpu.memory_space<vmem>>
    %dma_wait3A_31 = arith.constant 0 : i32
    %dma_wait3A_32 = tpu.memref_slice %arg5[%dma_wait3A, %dma_wait3A_31] : memref<8x128xi32, #tpu.memory_space<vmem>> -> memref<1x128xi32, #tpu.memory_space<vmem>>
    %dma_wait3A_33 = tpu.memref_squeeze %dma_wait3A_32 : memref<1x128xi32, #tpu.memory_space<vmem>> -> memref<128xi32, #tpu.memory_space<vmem>>
    %dma_wait3A_34 = arith.constant 0 : i32
    %dma_wait3A_35 = arith.constant 0 : i32
    %dma_wait3A_36 = tpu.memref_slice %arg3[%dma_wait3A_34, %dma_wait3A_35] : memref<262144x128xf32, #tpu.memory_space<hbm>> -> memref<262144x128xf32, #tpu.memory_space<hbm>>
    tpu.wait_indirect_dma semaphore(%arg7 : memref<!tpu.dma_semaphore, #tpu.memory_space<semaphore_mem>>) src(%dma_wait3A_36 : memref<262144x128xf32, #tpu.memory_space<hbm>>) dst(%dma_wait3A_30 : memref<128x128xf32, #tpu.memory_space<vmem>>)
    %add3A_37 = arith.constant 0 : i32
    %add3A_38 = arith.addi %mul3A_2, %add3A_37 : i32
    %run_scoped3A = arith.constant 0 : i32
    "tpu.region"() ({
      %run_scoped3A_108 = tpu.sem_alloc : memref<!tpu.dma_semaphore, #tpu.memory_space<semaphore_mem>>
      %dma_start3A_109 = arith.constant 0 : i32
      %dma_start3A_110 = arith.constant 0 : i32
      %dma_start3A_111 = tpu.memref_slice %arg6[%run_scoped3A, %dma_start3A_109, %dma_start3A_110] : memref<2x128x128xf32, #tpu.memory_space<vmem>> -> memref<1x128x128xf32, #tpu.memory_space<vmem>>
      %dma_start3A_112 = tpu.memref_squeeze %dma_start3A_111 : memref<1x128x128xf32, #tpu.memory_space<vmem>> -> memref<128x128xf32, #tpu.memory_space<vmem>>
      %dma_start3A_113 = arith.constant 0 : i32
      %dma_start3A_114 = tpu.memref_slice %arg4[%add3A_38, %dma_start3A_113] : memref<16384x128xf32, #tpu.memory_space<hbm>> -> memref<128x128xf32, #tpu.memory_space<hbm>>
      %dma_start3A_115 = arith.constant 0 : i32
      %dma_start3A_116 = tpu.memref_slice %arg4[%add3A_38, %dma_start3A_115] : memref<16384x128xf32, #tpu.memory_space<hbm>> -> memref<128x128xf32, #tpu.memory_space<hbm>>
      %dma_start3A_117 = arith.constant 0 : i32
      %dma_start3A_118 = arith.constant 0 : i32
      %dma_start3A_119 = tpu.memref_slice %arg6[%run_scoped3A, %dma_start3A_117, %dma_start3A_118] : memref<2x128x128xf32, #tpu.memory_space<vmem>> -> memref<1x128x128xf32, #tpu.memory_space<vmem>>
      %dma_start3A_120 = tpu.memref_squeeze %dma_start3A_119 : memref<1x128x128xf32, #tpu.memory_space<vmem>> -> memref<128x128xf32, #tpu.memory_space<vmem>>
      tpu.enqueue_dma source(%dma_start3A_120 : memref<128x128xf32, #tpu.memory_space<vmem>>) target(%dma_start3A_116 : memref<128x128xf32, #tpu.memory_space<hbm>>) target_semaphore(%run_scoped3A_108 : memref<!tpu.dma_semaphore, #tpu.memory_space<semaphore_mem>>)
      %dma_wait3A_121 = arith.constant 0 : i32
      %dma_wait3A_122 = arith.constant 0 : i32
      %dma_wait3A_123 = tpu.memref_slice %arg6[%run_scoped3A, %dma_wait3A_121, %dma_wait3A_122] : memref<2x128x128xf32, #tpu.memory_space<vmem>> -> memref<1x128x128xf32, #tpu.memory_space<vmem>>
      %dma_wait3A_124 = tpu.memref_squeeze %dma_wait3A_123 : memref<1x128x128xf32, #tpu.memory_space<vmem>> -> memref<128x128xf32, #tpu.memory_space<vmem>>
      %dma_wait3A_125 = arith.constant 0 : i32
      %dma_wait3A_126 = tpu.memref_slice %arg4[%add3A_38, %dma_wait3A_125] : memref<16384x128xf32, #tpu.memory_space<hbm>> -> memref<128x128xf32, #tpu.memory_space<hbm>>
      %dma_wait3A_127 = arith.constant 0 : i32
      %dma_wait3A_128 = tpu.memref_slice %arg4[%add3A_38, %dma_wait3A_127] : memref<16384x128xf32, #tpu.memory_space<hbm>> -> memref<128x128xf32, #tpu.memory_space<hbm>>
      %dma_wait3A_129 = arith.constant 0 : i32
      %dma_wait3A_130 = arith.constant 0 : i32
      %dma_wait3A_131 = tpu.memref_slice %arg6[%run_scoped3A, %dma_wait3A_129, %dma_wait3A_130] : memref<2x128x128xf32, #tpu.memory_space<vmem>> -> memref<1x128x128xf32, #tpu.memory_space<vmem>>
      %dma_wait3A_132 = tpu.memref_squeeze %dma_wait3A_131 : memref<1x128x128xf32, #tpu.memory_space<vmem>> -> memref<128x128xf32, #tpu.memory_space<vmem>>
      tpu.wait_dma2 semaphore(%run_scoped3A_108 : memref<!tpu.dma_semaphore, #tpu.memory_space<semaphore_mem>>) src(%dma_wait3A_132 : memref<128x128xf32, #tpu.memory_space<vmem>>) dst(%dma_wait3A_128 : memref<128x128xf32, #tpu.memory_space<hbm>>)
      tpu.yield
    }) : () -> ()
    %dma_start3A_39 = arith.constant 2 : i32
    %dma_start3A_40 = arith.constant 0 : i32
    %dma_start3A_41 = arith.constant 0 : i32
    %dma_start3A_42 = arith.constant 0 : i32
    %dma_start3A_43 = tpu.memref_slice %arg6[%dma_start3A_40, %dma_start3A_41, %dma_start3A_42] : memref<2x128x128xf32, #tpu.memory_space<vmem>> -> memref<1x128x128xf32, #tpu.memory_space<vmem>>
    %dma_start3A_44 = tpu.memref_squeeze %dma_start3A_43 : memref<1x128x128xf32, #tpu.memory_space<vmem>> -> memref<128x128xf32, #tpu.memory_space<vmem>>
    %dma_start3A_45 = arith.constant 0 : i32
    %dma_start3A_46 = tpu.memref_slice %arg5[%dma_start3A_39, %dma_start3A_45] : memref<8x128xi32, #tpu.memory_space<vmem>> -> memref<1x128xi32, #tpu.memory_space<vmem>>
    %dma_start3A_47 = tpu.memref_squeeze %dma_start3A_46 : memref<1x128xi32, #tpu.memory_space<vmem>> -> memref<128xi32, #tpu.memory_space<vmem>>
    %dma_start3A_48 = arith.constant 0 : i32
    %dma_start3A_49 = arith.constant 0 : i32
    %dma_start3A_50 = tpu.memref_slice %arg3[%dma_start3A_48, %dma_start3A_49] : memref<262144x128xf32, #tpu.memory_space<hbm>> -> memref<262144x128xf32, #tpu.memory_space<hbm>>
    tpu.enqueue_indirect_dma source(%dma_start3A_50 : memref<262144x128xf32, #tpu.memory_space<hbm>>) target(%dma_start3A_44 : memref<128x128xf32, #tpu.memory_space<vmem>>) offsets(%dma_start3A_47 : memref<128xi32, #tpu.memory_space<vmem>>) semaphore(%arg7 : memref<!tpu.dma_semaphore, #tpu.memory_space<semaphore_mem>>)
    %dma_wait3A_51 = arith.constant 1 : i32
    %dma_wait3A_52 = arith.constant 1 : i32
    %dma_wait3A_53 = arith.constant 0 : i32
    %dma_wait3A_54 = arith.constant 0 : i32
    %dma_wait3A_55 = tpu.memref_slice %arg6[%dma_wait3A_52, %dma_wait3A_53, %dma_wait3A_54] : memref<2x128x128xf32, #tpu.memory_space<vmem>> -> memref<1x128x128xf32, #tpu.memory_space<vmem>>
    %dma_wait3A_56 = tpu.memref_squeeze %dma_wait3A_55 : memref<1x128x128xf32, #tpu.memory_space<vmem>> -> memref<128x128xf32, #tpu.memory_space<vmem>>
    %dma_wait3A_57 = arith.constant 0 : i32
    %dma_wait3A_58 = tpu.memref_slice %arg5[%dma_wait3A_51, %dma_wait3A_57] : memref<8x128xi32, #tpu.memory_space<vmem>> -> memref<1x128xi32, #tpu.memory_space<vmem>>
    %dma_wait3A_59 = tpu.memref_squeeze %dma_wait3A_58 : memref<1x128xi32, #tpu.memory_space<vmem>> -> memref<128xi32, #tpu.memory_space<vmem>>
    %dma_wait3A_60 = arith.constant 0 : i32
    %dma_wait3A_61 = arith.constant 0 : i32
    %dma_wait3A_62 = tpu.memref_slice %arg3[%dma_wait3A_60, %dma_wait3A_61] : memref<262144x128xf32, #tpu.memory_space<hbm>> -> memref<262144x128xf32, #tpu.memory_space<hbm>>
    tpu.wait_indirect_dma semaphore(%arg7 : memref<!tpu.dma_semaphore, #tpu.memory_space<semaphore_mem>>) src(%dma_wait3A_62 : memref<262144x128xf32, #tpu.memory_space<hbm>>) dst(%dma_wait3A_56 : memref<128x128xf32, #tpu.memory_space<vmem>>)
    %add3A_63 = arith.constant 128 : i32
    %add3A_64 = arith.addi %mul3A_2, %add3A_63 : i32
    %run_scoped3A_65 = arith.constant 1 : i32
    "tpu.region"() ({
      %run_scoped3A_108 = tpu.sem_alloc : memref<!tpu.dma_semaphore, #tpu.memory_space<semaphore_mem>>
      %dma_start3A_109 = arith.constant 0 : i32
      %dma_start3A_110 = arith.constant 0 : i32
      %dma_start3A_111 = tpu.memref_slice %arg6[%run_scoped3A_65, %dma_start3A_109, %dma_start3A_110] : memref<2x128x128xf32, #tpu.memory_space<vmem>> -> memref<1x128x128xf32, #tpu.memory_space<vmem>>
      %dma_start3A_112 = tpu.memref_squeeze %dma_start3A_111 : memref<1x128x128xf32, #tpu.memory_space<vmem>> -> memref<128x128xf32, #tpu.memory_space<vmem>>
      %dma_start3A_113 = arith.constant 0 : i32
      %dma_start3A_114 = tpu.memref_slice %arg4[%add3A_64, %dma_start3A_113] : memref<16384x128xf32, #tpu.memory_space<hbm>> -> memref<128x128xf32, #tpu.memory_space<hbm>>
      %dma_start3A_115 = arith.constant 0 : i32
      %dma_start3A_116 = tpu.memref_slice %arg4[%add3A_64, %dma_start3A_115] : memref<16384x128xf32, #tpu.memory_space<hbm>> -> memref<128x128xf32, #tpu.memory_space<hbm>>
      %dma_start3A_117 = arith.constant 0 : i32
      %dma_start3A_118 = arith.constant 0 : i32
      %dma_start3A_119 = tpu.memref_slice %arg6[%run_scoped3A_65, %dma_start3A_117, %dma_start3A_118] : memref<2x128x128xf32, #tpu.memory_space<vmem>> -> memref<1x128x128xf32, #tpu.memory_space<vmem>>
      %dma_start3A_120 = tpu.memref_squeeze %dma_start3A_119 : memref<1x128x128xf32, #tpu.memory_space<vmem>> -> memref<128x128xf32, #tpu.memory_space<vmem>>
      tpu.enqueue_dma source(%dma_start3A_120 : memref<128x128xf32, #tpu.memory_space<vmem>>) target(%dma_start3A_116 : memref<128x128xf32, #tpu.memory_space<hbm>>) target_semaphore(%run_scoped3A_108 : memref<!tpu.dma_semaphore, #tpu.memory_space<semaphore_mem>>)
      %dma_wait3A_121 = arith.constant 0 : i32
      %dma_wait3A_122 = arith.constant 0 : i32
      %dma_wait3A_123 = tpu.memref_slice %arg6[%run_scoped3A_65, %dma_wait3A_121, %dma_wait3A_122] : memref<2x128x128xf32, #tpu.memory_space<vmem>> -> memref<1x128x128xf32, #tpu.memory_space<vmem>>
      %dma_wait3A_124 = tpu.memref_squeeze %dma_wait3A_123 : memref<1x128x128xf32, #tpu.memory_space<vmem>> -> memref<128x128xf32, #tpu.memory_space<vmem>>
      %dma_wait3A_125 = arith.constant 0 : i32
      %dma_wait3A_126 = tpu.memref_slice %arg4[%add3A_64, %dma_wait3A_125] : memref<16384x128xf32, #tpu.memory_space<hbm>> -> memref<128x128xf32, #tpu.memory_space<hbm>>
      %dma_wait3A_127 = arith.constant 0 : i32
      %dma_wait3A_128 = tpu.memref_slice %arg4[%add3A_64, %dma_wait3A_127] : memref<16384x128xf32, #tpu.memory_space<hbm>> -> memref<128x128xf32, #tpu.memory_space<hbm>>
      %dma_wait3A_129 = arith.constant 0 : i32
      %dma_wait3A_130 = arith.constant 0 : i32
      %dma_wait3A_131 = tpu.memref_slice %arg6[%run_scoped3A_65, %dma_wait3A_129, %dma_wait3A_130] : memref<2x128x128xf32, #tpu.memory_space<vmem>> -> memref<1x128x128xf32, #tpu.memory_space<vmem>>
      %dma_wait3A_132 = tpu.memref_squeeze %dma_wait3A_131 : memref<1x128x128xf32, #tpu.memory_space<vmem>> -> memref<128x128xf32, #tpu.memory_space<vmem>>
      tpu.wait_dma2 semaphore(%run_scoped3A_108 : memref<!tpu.dma_semaphore, #tpu.memory_space<semaphore_mem>>) src(%dma_wait3A_132 : memref<128x128xf32, #tpu.memory_space<vmem>>) dst(%dma_wait3A_128 : memref<128x128xf32, #tpu.memory_space<hbm>>)
      tpu.yield
    }) : () -> ()
    %dma_start3A_66 = arith.constant 3 : i32
    %dma_start3A_67 = arith.constant 1 : i32
    %dma_start3A_68 = arith.constant 0 : i32
    %dma_start3A_69 = arith.constant 0 : i32
    %dma_start3A_70 = tpu.memref_slice %arg6[%dma_start3A_67, %dma_start3A_68, %dma_start3A_69] : memref<2x128x128xf32, #tpu.memory_space<vmem>> -> memref<1x128x128xf32, #tpu.memory_space<vmem>>
    %dma_start3A_71 = tpu.memref_squeeze %dma_start3A_70 : memref<1x128x128xf32, #tpu.memory_space<vmem>> -> memref<128x128xf32, #tpu.memory_space<vmem>>
    %dma_start3A_72 = arith.constant 0 : i32
    %dma_start3A_73 = tpu.memref_slice %arg5[%dma_start3A_66, %dma_start3A_72] : memref<8x128xi32, #tpu.memory_space<vmem>> -> memref<1x128xi32, #tpu.memory_space<vmem>>
    %dma_start3A_74 = tpu.memref_squeeze %dma_start3A_73 : memref<1x128xi32, #tpu.memory_space<vmem>> -> memref<128xi32, #tpu.memory_space<vmem>>
    %dma_start3A_75 = arith.constant 0 : i32
    %dma_start3A_76 = arith.constant 0 : i32
    %dma_start3A_77 = tpu.memref_slice %arg3[%dma_start3A_75, %dma_start3A_76] : memref<262144x128xf32, #tpu.memory_space<hbm>> -> memref<262144x128xf32, #tpu.memory_space<hbm>>
    tpu.enqueue_indirect_dma source(%dma_start3A_77 : memref<262144x128xf32, #tpu.memory_space<hbm>>) target(%dma_start3A_71 : memref<128x128xf32, #tpu.memory_space<vmem>>) offsets(%dma_start3A_74 : memref<128xi32, #tpu.memory_space<vmem>>) semaphore(%arg7 : memref<!tpu.dma_semaphore, #tpu.memory_space<semaphore_mem>>)
    %dma_wait3A_78 = arith.constant 2 : i32
    %dma_wait3A_79 = arith.constant 0 : i32
    %dma_wait3A_80 = arith.constant 0 : i32
    %dma_wait3A_81 = arith.constant 0 : i32
    %dma_wait3A_82 = tpu.memref_slice %arg6[%dma_wait3A_79, %dma_wait3A_80, %dma_wait3A_81] : memref<2x128x128xf32, #tpu.memory_space<vmem>> -> memref<1x128x128xf32, #tpu.memory_space<vmem>>
    %dma_wait3A_83 = tpu.memref_squeeze %dma_wait3A_82 : memref<1x128x128xf32, #tpu.memory_space<vmem>> -> memref<128x128xf32, #tpu.memory_space<vmem>>
    %dma_wait3A_84 = arith.constant 0 : i32
    %dma_wait3A_85 = tpu.memref_slice %arg5[%dma_wait3A_78, %dma_wait3A_84] : memref<8x128xi32, #tpu.memory_space<vmem>> -> memref<1x128xi32, #tpu.memory_space<vmem>>
    %dma_wait3A_86 = tpu.memref_squeeze %dma_wait3A_85 : memref<1x128xi32, #tpu.memory_space<vmem>> -> memref<128xi32, #tpu.memory_space<vmem>>
    %dma_wait3A_87 = arith.constant 0 : i32
    %dma_wait3A_88 = arith.constant 0 : i32
    %dma_wait3A_89 = tpu.memref_slice %arg3[%dma_wait3A_87, %dma_wait3A_88] : memref<262144x128xf32, #tpu.memory_space<hbm>> -> memref<262144x128xf32, #tpu.memory_space<hbm>>
    tpu.wait_indirect_dma semaphore(%arg7 : memref<!tpu.dma_semaphore, #tpu.memory_space<semaphore_mem>>) src(%dma_wait3A_89 : memref<262144x128xf32, #tpu.memory_space<hbm>>) dst(%dma_wait3A_83 : memref<128x128xf32, #tpu.memory_space<vmem>>)
    %add3A_90 = arith.constant 256 : i32
    %add3A_91 = arith.addi %mul3A_2, %add3A_90 : i32
    %run_scoped3A_92 = arith.constant 0 : i32
    "tpu.region"() ({
      %run_scoped3A_108 = tpu.sem_alloc : memref<!tpu.dma_semaphore, #tpu.memory_space<semaphore_mem>>
      %dma_start3A_109 = arith.constant 0 : i32
      %dma_start3A_110 = arith.constant 0 : i32
      %dma_start3A_111 = tpu.memref_slice %arg6[%run_scoped3A_92, %dma_start3A_109, %dma_start3A_110] : memref<2x128x128xf32, #tpu.memory_space<vmem>> -> memref<1x128x128xf32, #tpu.memory_space<vmem>>
      %dma_start3A_112 = tpu.memref_squeeze %dma_start3A_111 : memref<1x128x128xf32, #tpu.memory_space<vmem>> -> memref<128x128xf32, #tpu.memory_space<vmem>>
      %dma_start3A_113 = arith.constant 0 : i32
      %dma_start3A_114 = tpu.memref_slice %arg4[%add3A_91, %dma_start3A_113] : memref<16384x128xf32, #tpu.memory_space<hbm>> -> memref<128x128xf32, #tpu.memory_space<hbm>>
      %dma_start3A_115 = arith.constant 0 : i32
      %dma_start3A_116 = tpu.memref_slice %arg4[%add3A_91, %dma_start3A_115] : memref<16384x128xf32, #tpu.memory_space<hbm>> -> memref<128x128xf32, #tpu.memory_space<hbm>>
      %dma_start3A_117 = arith.constant 0 : i32
      %dma_start3A_118 = arith.constant 0 : i32
      %dma_start3A_119 = tpu.memref_slice %arg6[%run_scoped3A_92, %dma_start3A_117, %dma_start3A_118] : memref<2x128x128xf32, #tpu.memory_space<vmem>> -> memref<1x128x128xf32, #tpu.memory_space<vmem>>
      %dma_start3A_120 = tpu.memref_squeeze %dma_start3A_119 : memref<1x128x128xf32, #tpu.memory_space<vmem>> -> memref<128x128xf32, #tpu.memory_space<vmem>>
      tpu.enqueue_dma source(%dma_start3A_120 : memref<128x128xf32, #tpu.memory_space<vmem>>) target(%dma_start3A_116 : memref<128x128xf32, #tpu.memory_space<hbm>>) target_semaphore(%run_scoped3A_108 : memref<!tpu.dma_semaphore, #tpu.memory_space<semaphore_mem>>)
      %dma_wait3A_121 = arith.constant 0 : i32
      %dma_wait3A_122 = arith.constant 0 : i32
      %dma_wait3A_123 = tpu.memref_slice %arg6[%run_scoped3A_92, %dma_wait3A_121, %dma_wait3A_122] : memref<2x128x128xf32, #tpu.memory_space<vmem>> -> memref<1x128x128xf32, #tpu.memory_space<vmem>>
      %dma_wait3A_124 = tpu.memref_squeeze %dma_wait3A_123 : memref<1x128x128xf32, #tpu.memory_space<vmem>> -> memref<128x128xf32, #tpu.memory_space<vmem>>
      %dma_wait3A_125 = arith.constant 0 : i32
      %dma_wait3A_126 = tpu.memref_slice %arg4[%add3A_91, %dma_wait3A_125] : memref<16384x128xf32, #tpu.memory_space<hbm>> -> memref<128x128xf32, #tpu.memory_space<hbm>>
      %dma_wait3A_127 = arith.constant 0 : i32
      %dma_wait3A_128 = tpu.memref_slice %arg4[%add3A_91, %dma_wait3A_127] : memref<16384x128xf32, #tpu.memory_space<hbm>> -> memref<128x128xf32, #tpu.memory_space<hbm>>
      %dma_wait3A_129 = arith.constant 0 : i32
      %dma_wait3A_130 = arith.constant 0 : i32
      %dma_wait3A_131 = tpu.memref_slice %arg6[%run_scoped3A_92, %dma_wait3A_129, %dma_wait3A_130] : memref<2x128x128xf32, #tpu.memory_space<vmem>> -> memref<1x128x128xf32, #tpu.memory_space<vmem>>
      %dma_wait3A_132 = tpu.memref_squeeze %dma_wait3A_131 : memref<1x128x128xf32, #tpu.memory_space<vmem>> -> memref<128x128xf32, #tpu.memory_space<vmem>>
      tpu.wait_dma2 semaphore(%run_scoped3A_108 : memref<!tpu.dma_semaphore, #tpu.memory_space<semaphore_mem>>) src(%dma_wait3A_132 : memref<128x128xf32, #tpu.memory_space<vmem>>) dst(%dma_wait3A_128 : memref<128x128xf32, #tpu.memory_space<hbm>>)
      tpu.yield
    }) : () -> ()
    %dma_wait3A_93 = arith.constant 3 : i32
    %dma_wait3A_94 = arith.constant 1 : i32
    %dma_wait3A_95 = arith.constant 0 : i32
    %dma_wait3A_96 = arith.constant 0 : i32
    %dma_wait3A_97 = tpu.memref_slice %arg6[%dma_wait3A_94, %dma_wait3A_95, %dma_wait3A_96] : memref<2x128x128xf32, #tpu.memory_space<vmem>> -> memref<1x128x128xf32, #tpu.memory_space<vmem>>
    %dma_wait3A_98 = tpu.memref_squeeze %dma_wait3A_97 : memref<1x128x128xf32, #tpu.memory_space<vmem>> -> memref<128x128xf32, #tpu.memory_space<vmem>>
    %dma_wait3A_99 = arith.constant 0 : i32
    %dma_wait3A_100 = tpu.memref_slice %arg5[%dma_wait3A_93, %dma_wait3A_99] : memref<8x128xi32, #tpu.memory_space<vmem>> -> memref<1x128xi32, #tpu.memory_space<vmem>>
    %dma_wait3A_101 = tpu.memref_squeeze %dma_wait3A_100 : memref<1x128xi32, #tpu.memory_space<vmem>> -> memref<128xi32, #tpu.memory_space<vmem>>
    %dma_wait3A_102 = arith.constant 0 : i32
    %dma_wait3A_103 = arith.constant 0 : i32
    %dma_wait3A_104 = tpu.memref_slice %arg3[%dma_wait3A_102, %dma_wait3A_103] : memref<262144x128xf32, #tpu.memory_space<hbm>> -> memref<262144x128xf32, #tpu.memory_space<hbm>>
    tpu.wait_indirect_dma semaphore(%arg7 : memref<!tpu.dma_semaphore, #tpu.memory_space<semaphore_mem>>) src(%dma_wait3A_104 : memref<262144x128xf32, #tpu.memory_space<hbm>>) dst(%dma_wait3A_98 : memref<128x128xf32, #tpu.memory_space<vmem>>)
    %add3A_105 = arith.constant 384 : i32
    %add3A_106 = arith.addi %mul3A_2, %add3A_105 : i32
    %run_scoped3A_107 = arith.constant 1 : i32
    "tpu.region"() ({
      %run_scoped3A_108 = tpu.sem_alloc : memref<!tpu.dma_semaphore, #tpu.memory_space<semaphore_mem>>
      %dma_start3A_109 = arith.constant 0 : i32
      %dma_start3A_110 = arith.constant 0 : i32
      %dma_start3A_111 = tpu.memref_slice %arg6[%run_scoped3A_107, %dma_start3A_109, %dma_start3A_110] : memref<2x128x128xf32, #tpu.memory_space<vmem>> -> memref<1x128x128xf32, #tpu.memory_space<vmem>>
      %dma_start3A_112 = tpu.memref_squeeze %dma_start3A_111 : memref<1x128x128xf32, #tpu.memory_space<vmem>> -> memref<128x128xf32, #tpu.memory_space<vmem>>
      %dma_start3A_113 = arith.constant 0 : i32
      %dma_start3A_114 = tpu.memref_slice %arg4[%add3A_106, %dma_start3A_113] : memref<16384x128xf32, #tpu.memory_space<hbm>> -> memref<128x128xf32, #tpu.memory_space<hbm>>
      %dma_start3A_115 = arith.constant 0 : i32
      %dma_start3A_116 = tpu.memref_slice %arg4[%add3A_106, %dma_start3A_115] : memref<16384x128xf32, #tpu.memory_space<hbm>> -> memref<128x128xf32, #tpu.memory_space<hbm>>
      %dma_start3A_117 = arith.constant 0 : i32
      %dma_start3A_118 = arith.constant 0 : i32
      %dma_start3A_119 = tpu.memref_slice %arg6[%run_scoped3A_107, %dma_start3A_117, %dma_start3A_118] : memref<2x128x128xf32, #tpu.memory_space<vmem>> -> memref<1x128x128xf32, #tpu.memory_space<vmem>>
      %dma_start3A_120 = tpu.memref_squeeze %dma_start3A_119 : memref<1x128x128xf32, #tpu.memory_space<vmem>> -> memref<128x128xf32, #tpu.memory_space<vmem>>
      tpu.enqueue_dma source(%dma_start3A_120 : memref<128x128xf32, #tpu.memory_space<vmem>>) target(%dma_start3A_116 : memref<128x128xf32, #tpu.memory_space<hbm>>) target_semaphore(%run_scoped3A_108 : memref<!tpu.dma_semaphore, #tpu.memory_space<semaphore_mem>>)
      %dma_wait3A_121 = arith.constant 0 : i32
      %dma_wait3A_122 = arith.constant 0 : i32
      %dma_wait3A_123 = tpu.memref_slice %arg6[%run_scoped3A_107, %dma_wait3A_121, %dma_wait3A_122] : memref<2x128x128xf32, #tpu.memory_space<vmem>> -> memref<1x128x128xf32, #tpu.memory_space<vmem>>
      %dma_wait3A_124 = tpu.memref_squeeze %dma_wait3A_123 : memref<1x128x128xf32, #tpu.memory_space<vmem>> -> memref<128x128xf32, #tpu.memory_space<vmem>>
      %dma_wait3A_125 = arith.constant 0 : i32
      %dma_wait3A_126 = tpu.memref_slice %arg4[%add3A_106, %dma_wait3A_125] : memref<16384x128xf32, #tpu.memory_space<hbm>> -> memref<128x128xf32, #tpu.memory_space<hbm>>
      %dma_wait3A_127 = arith.constant 0 : i32
      %dma_wait3A_128 = tpu.memref_slice %arg4[%add3A_106, %dma_wait3A_127] : memref<16384x128xf32, #tpu.memory_space<hbm>> -> memref<128x128xf32, #tpu.memory_space<hbm>>
      %dma_wait3A_129 = arith.constant 0 : i32
      %dma_wait3A_130 = arith.constant 0 : i32
      %dma_wait3A_131 = tpu.memref_slice %arg6[%run_scoped3A_107, %dma_wait3A_129, %dma_wait3A_130] : memref<2x128x128xf32, #tpu.memory_space<vmem>> -> memref<1x128x128xf32, #tpu.memory_space<vmem>>
      %dma_wait3A_132 = tpu.memref_squeeze %dma_wait3A_131 : memref<1x128x128xf32, #tpu.memory_space<vmem>> -> memref<128x128xf32, #tpu.memory_space<vmem>>
      tpu.wait_dma2 semaphore(%run_scoped3A_108 : memref<!tpu.dma_semaphore, #tpu.memory_space<semaphore_mem>>) src(%dma_wait3A_132 : memref<128x128xf32, #tpu.memory_space<vmem>>) dst(%dma_wait3A_128 : memref<128x128xf32, #tpu.memory_space<hbm>>)
      tpu.yield
    }) : () -> ()
    return
  }
}

module attributes {stable_mosaic.version = 14 : i64} {
  func.func @_project_kernel(%arg0: i32, %arg1: memref<64x4096xf32, #tpu.memory_space<vmem>>, %arg2: memref<64x4096xf32, #tpu.memory_space<vmem>>, %arg3: memref<64x4096xf32, #tpu.memory_space<vmem>>, %arg4: memref<64x4096xf32, #tpu.memory_space<vmem>>, %arg5: memref<64x64xf32, #tpu.memory_space<vmem>>, %arg6: memref<4096x128xf32, #tpu.memory_space<vmem>>) attributes {dimension_semantics = [#tpu.dimension_semantics<arbitrary>], iteration_bounds = array<i64: 64>, scalar_prefetch = 0 : i64, scratch_operands = 0 : i64, tpu.core_type = #tpu.core_type<tc>, window_params = [{transform_indices = @transform_0, window_bounds = array<i64: 64, 4096>}, {transform_indices = @transform_1, window_bounds = array<i64: 64, 4096>}, {transform_indices = @transform_2, window_bounds = array<i64: 64, 4096>}, {transform_indices = @transform_3, window_bounds = array<i64: 64, 4096>}, {pipeline_mode = #tpu.pipeline_mode<synchronous>, transform_indices = @transform_4, window_bounds = array<i64: 64, 64>}, {transform_indices = @transform_5, window_bounds = array<i64: 4096, 128>}]} {
    %get3A = arith.constant 0 : index
    %get3A_0 = arith.constant 0 : index
    %get3A_1 = vector.load %arg5[%get3A, %get3A_0] : memref<64x64xf32, #tpu.memory_space<vmem>>, vector<64x64xf32>
    %get3A_2 = arith.constant 0 : index
    %get3A_3 = arith.constant 0 : index
    %get3A_4 = vector.load %arg1[%get3A_2, %get3A_3] : memref<64x4096xf32, #tpu.memory_space<vmem>>, vector<64x4096xf32>
    %dot_general3A = arith.constant dense<0.000000e+00> : vector<4096x64xf32>
    %dot_general3A_5 = tpu.matmul %get3A_4, %get3A_1, %dot_general3A {dimension_numbers = #tpu.dot_dimension_numbers<[0], [0], [1], [1], [0, 1, 1, 1], [], []>, transpose_lhs_hint = false} : vector<64x4096xf32>, vector<64x64xf32>, vector<4096x64xf32> -> vector<4096x64xf32>
    %get3A_6 = arith.constant 0 : index
    %get3A_7 = arith.constant 0 : index
    %get3A_8 = vector.load %arg2[%get3A_6, %get3A_7] : memref<64x4096xf32, #tpu.memory_space<vmem>>, vector<64x4096xf32>
    %dot_general3A_9 = arith.constant dense<0.000000e+00> : vector<4096x64xf32>
    %dot_general3A_10 = tpu.matmul %get3A_8, %get3A_1, %dot_general3A_9 {dimension_numbers = #tpu.dot_dimension_numbers<[0], [0], [1], [1], [0, 1, 1, 1], [], []>, transpose_lhs_hint = false} : vector<64x4096xf32>, vector<64x64xf32>, vector<4096x64xf32> -> vector<4096x64xf32>
    %get3A_11 = arith.constant 0 : index
    %get3A_12 = arith.constant 0 : index
    %get3A_13 = vector.load %arg3[%get3A_11, %get3A_12] : memref<64x4096xf32, #tpu.memory_space<vmem>>, vector<64x4096xf32>
    %dot_general3A_14 = arith.constant dense<0.000000e+00> : vector<4096x64xf32>
    %dot_general3A_15 = tpu.matmul %get3A_13, %get3A_1, %dot_general3A_14 {dimension_numbers = #tpu.dot_dimension_numbers<[0], [0], [1], [1], [0, 1, 1, 1], [], []>, transpose_lhs_hint = false} : vector<64x4096xf32>, vector<64x64xf32>, vector<4096x64xf32> -> vector<4096x64xf32>
    %get3A_16 = arith.constant 0 : index
    %get3A_17 = arith.constant 0 : index
    %get3A_18 = vector.load %arg4[%get3A_16, %get3A_17] : memref<64x4096xf32, #tpu.memory_space<vmem>>, vector<64x4096xf32>
    %dot_general3A_19 = arith.constant dense<0.000000e+00> : vector<4096x64xf32>
    %dot_general3A_20 = tpu.matmul %get3A_18, %get3A_1, %dot_general3A_19 {dimension_numbers = #tpu.dot_dimension_numbers<[0], [0], [1], [1], [0, 1, 1, 1], [], []>, transpose_lhs_hint = false} : vector<64x4096xf32>, vector<64x64xf32>, vector<4096x64xf32> -> vector<4096x64xf32>
    %bitcast_convert_type3A = tpu.bitcast %dot_general3A_5 : vector<4096x64xf32> -> vector<4096x64xi32>
    %add3A = arith.constant 32767 : i32
    %add3A_21 = vector.broadcast %add3A : i32 to vector<4096x64xi32>
    %add3A_22 = arith.addi %bitcast_convert_type3A, %add3A_21 : vector<4096x64xi32>
    %shift_right_logical3A = arith.constant 16 : i32
    %shift_right_logical3A_23 = vector.broadcast %shift_right_logical3A : i32 to vector<4096x64xi32>
    %shift_right_logical3A_24 = arith.shrui %bitcast_convert_type3A, %shift_right_logical3A_23 : vector<4096x64xi32>
    %and3A = arith.constant 1 : i32
    %and3A_25 = vector.broadcast %and3A : i32 to vector<4096x64xi32>
    %and3A_26 = arith.andi %shift_right_logical3A_24, %and3A_25 : vector<4096x64xi32>
    %add3A_27 = arith.addi %add3A_22, %and3A_26 : vector<4096x64xi32>
    %bitcast_convert_type3A_28 = tpu.bitcast %dot_general3A_10 : vector<4096x64xf32> -> vector<4096x64xi32>
    %add3A_29 = arith.constant 32767 : i32
    %add3A_30 = vector.broadcast %add3A_29 : i32 to vector<4096x64xi32>
    %add3A_31 = arith.addi %bitcast_convert_type3A_28, %add3A_30 : vector<4096x64xi32>
    %shift_right_logical3A_32 = arith.constant 16 : i32
    %shift_right_logical3A_33 = vector.broadcast %shift_right_logical3A_32 : i32 to vector<4096x64xi32>
    %shift_right_logical3A_34 = arith.shrui %bitcast_convert_type3A_28, %shift_right_logical3A_33 : vector<4096x64xi32>
    %and3A_35 = arith.constant 1 : i32
    %and3A_36 = vector.broadcast %and3A_35 : i32 to vector<4096x64xi32>
    %and3A_37 = arith.andi %shift_right_logical3A_34, %and3A_36 : vector<4096x64xi32>
    %add3A_38 = arith.addi %add3A_31, %and3A_37 : vector<4096x64xi32>
    %bitcast_convert_type3A_39 = tpu.bitcast %dot_general3A_15 : vector<4096x64xf32> -> vector<4096x64xi32>
    %add3A_40 = arith.constant 32767 : i32
    %add3A_41 = vector.broadcast %add3A_40 : i32 to vector<4096x64xi32>
    %add3A_42 = arith.addi %bitcast_convert_type3A_39, %add3A_41 : vector<4096x64xi32>
    %shift_right_logical3A_43 = arith.constant 16 : i32
    %shift_right_logical3A_44 = vector.broadcast %shift_right_logical3A_43 : i32 to vector<4096x64xi32>
    %shift_right_logical3A_45 = arith.shrui %bitcast_convert_type3A_39, %shift_right_logical3A_44 : vector<4096x64xi32>
    %and3A_46 = arith.constant 1 : i32
    %and3A_47 = vector.broadcast %and3A_46 : i32 to vector<4096x64xi32>
    %and3A_48 = arith.andi %shift_right_logical3A_45, %and3A_47 : vector<4096x64xi32>
    %add3A_49 = arith.addi %add3A_42, %and3A_48 : vector<4096x64xi32>
    %bitcast_convert_type3A_50 = tpu.bitcast %dot_general3A_20 : vector<4096x64xf32> -> vector<4096x64xi32>
    %add3A_51 = arith.constant 32767 : i32
    %add3A_52 = vector.broadcast %add3A_51 : i32 to vector<4096x64xi32>
    %add3A_53 = arith.addi %bitcast_convert_type3A_50, %add3A_52 : vector<4096x64xi32>
    %shift_right_logical3A_54 = arith.constant 16 : i32
    %shift_right_logical3A_55 = vector.broadcast %shift_right_logical3A_54 : i32 to vector<4096x64xi32>
    %shift_right_logical3A_56 = arith.shrui %bitcast_convert_type3A_50, %shift_right_logical3A_55 : vector<4096x64xi32>
    %and3A_57 = arith.constant 1 : i32
    %and3A_58 = vector.broadcast %and3A_57 : i32 to vector<4096x64xi32>
    %and3A_59 = arith.andi %shift_right_logical3A_56, %and3A_58 : vector<4096x64xi32>
    %add3A_60 = arith.addi %add3A_53, %and3A_59 : vector<4096x64xi32>
    %shift_right_logical3A_61 = arith.constant 16 : i32
    %shift_right_logical3A_62 = vector.broadcast %shift_right_logical3A_61 : i32 to vector<4096x64xi32>
    %shift_right_logical3A_63 = arith.shrui %add3A_27, %shift_right_logical3A_62 : vector<4096x64xi32>
    %and3A_64 = arith.constant -65536 : i32
    %and3A_65 = vector.broadcast %and3A_64 : i32 to vector<4096x64xi32>
    %and3A_66 = arith.andi %add3A_38, %and3A_65 : vector<4096x64xi32>
    %or3A = arith.ori %shift_right_logical3A_63, %and3A_66 : vector<4096x64xi32>
    %shift_right_logical3A_67 = arith.constant 16 : i32
    %shift_right_logical3A_68 = vector.broadcast %shift_right_logical3A_67 : i32 to vector<4096x64xi32>
    %shift_right_logical3A_69 = arith.shrui %add3A_49, %shift_right_logical3A_68 : vector<4096x64xi32>
    %and3A_70 = arith.constant -65536 : i32
    %and3A_71 = vector.broadcast %and3A_70 : i32 to vector<4096x64xi32>
    %and3A_72 = arith.andi %add3A_60, %and3A_71 : vector<4096x64xi32>
    %or3A_73 = arith.ori %shift_right_logical3A_69, %and3A_72 : vector<4096x64xi32>
    %concatenate3A = tpu.concatenate %or3A, %or3A_73 in 1 : vector<4096x64xi32>, vector<4096x64xi32> -> vector<4096x128xi32>
    %bitcast_convert_type3A_74 = tpu.bitcast %concatenate3A : vector<4096x128xi32> -> vector<4096x128xf32>
    %swap3A = arith.constant 0 : index
    %swap3A_75 = arith.constant 0 : index
    %swap3A_76 = vector.load %arg6[%swap3A, %swap3A_75] : memref<4096x128xf32, #tpu.memory_space<vmem>>, vector<4096x128xf32>
    tpu.vector_store %arg6[%swap3A, %swap3A_75], %bitcast_convert_type3A_74 {strides = array<i32>} : memref<4096x128xf32, #tpu.memory_space<vmem>>, vector<4096x128xf32>,
    return
  }
  func.func @transform_0(%arg0: i32) -> (i32, i32) {
    %add3A = arith.constant 0 : i32
    %add3A_0 = arith.addi %arg0, %add3A : i32
    %min3A = arith.constant 244 : i32
    %min3A_1 = arith.minsi %add3A_0, %min3A : i32
    %c0_i32 = arith.constant 0 : i32
    %c0_i32_2 = arith.constant 0 : i32
    return %c0_i32, %min3A_1 : i32, i32
  }
  func.func @transform_1(%arg0: i32) -> (i32, i32) {
    %add3A = arith.constant 64 : i32
    %add3A_0 = arith.addi %arg0, %add3A : i32
    %min3A = arith.constant 244 : i32
    %min3A_1 = arith.minsi %add3A_0, %min3A : i32
    %c0_i32 = arith.constant 0 : i32
    %c0_i32_2 = arith.constant 0 : i32
    return %c0_i32, %min3A_1 : i32, i32
  }
  func.func @transform_2(%arg0: i32) -> (i32, i32) {
    %add3A = arith.constant 128 : i32
    %add3A_0 = arith.addi %arg0, %add3A : i32
    %min3A = arith.constant 244 : i32
    %min3A_1 = arith.minsi %add3A_0, %min3A : i32
    %c0_i32 = arith.constant 0 : i32
    %c0_i32_2 = arith.constant 0 : i32
    return %c0_i32, %min3A_1 : i32, i32
  }
  func.func @transform_3(%arg0: i32) -> (i32, i32) {
    %add3A = arith.constant 192 : i32
    %add3A_0 = arith.addi %arg0, %add3A : i32
    %min3A = arith.constant 244 : i32
    %min3A_1 = arith.minsi %add3A_0, %min3A : i32
    %c0_i32 = arith.constant 0 : i32
    %c0_i32_2 = arith.constant 0 : i32
    return %c0_i32, %min3A_1 : i32, i32
  }
  func.func @transform_4(%arg0: i32) -> (i32, i32) {
    %c0_i32 = arith.constant 0 : i32
    %c0_i32_0 = arith.constant 0 : i32
    %c0_i32_1 = arith.constant 0 : i32
    return %c0_i32, %c0_i32_0 : i32, i32
  }
  func.func @transform_5(%arg0: i32) -> (i32, i32) {
    %c0_i32 = arith.constant 0 : i32
    %c0_i32_0 = arith.constant 0 : i32
    return %arg0, %c0_i32 : i32, i32
  }
}

module attributes {stable_mosaic.version = 14 : i64} {
  func.func @_project_kernel(%arg0: i32, %arg1: memref<32x4096xf32, #tpu.memory_space<vmem>>, %arg2: memref<32x4096xf32, #tpu.memory_space<vmem>>, %arg3: memref<32x4096xf32, #tpu.memory_space<vmem>>, %arg4: memref<32x4096xf32, #tpu.memory_space<vmem>>, %arg5: memref<32x64xf32, #tpu.memory_space<vmem>>, %arg6: memref<4096x128xf32, #tpu.memory_space<vmem>>) attributes {dimension_semantics = [#tpu.dimension_semantics<arbitrary>], iteration_bounds = array<i64: 64>, scalar_prefetch = 0 : i64, scratch_operands = 0 : i64, tpu.core_type = #tpu.core_type<tc>, window_params = [{transform_indices = @transform_0, window_bounds = array<i64: 32, 4096>}, {transform_indices = @transform_1, window_bounds = array<i64: 32, 4096>}, {transform_indices = @transform_2, window_bounds = array<i64: 32, 4096>}, {transform_indices = @transform_3, window_bounds = array<i64: 32, 4096>}, {pipeline_mode = #tpu.pipeline_mode<synchronous>, transform_indices = @transform_4, window_bounds = array<i64: 32, 64>}, {transform_indices = @transform_5, window_bounds = array<i64: 4096, 128>}]} {
    %get3A = arith.constant 0 : index
    %get3A_0 = arith.constant 0 : index
    %get3A_1 = vector.load %arg5[%get3A, %get3A_0] : memref<32x64xf32, #tpu.memory_space<vmem>>, vector<32x64xf32>
    %get3A_2 = arith.constant 0 : index
    %get3A_3 = arith.constant 0 : index
    %get3A_4 = vector.load %arg1[%get3A_2, %get3A_3] : memref<32x4096xf32, #tpu.memory_space<vmem>>, vector<32x4096xf32>
    %dot_general3A = arith.constant dense<0.000000e+00> : vector<4096x64xf32>
    %dot_general3A_5 = tpu.matmul %get3A_4, %get3A_1, %dot_general3A {dimension_numbers = #tpu.dot_dimension_numbers<[0], [0], [1], [1], [0, 1, 1, 1], [], []>, transpose_lhs_hint = false} : vector<32x4096xf32>, vector<32x64xf32>, vector<4096x64xf32> -> vector<4096x64xf32>
    %get3A_6 = arith.constant 0 : index
    %get3A_7 = arith.constant 0 : index
    %get3A_8 = vector.load %arg2[%get3A_6, %get3A_7] : memref<32x4096xf32, #tpu.memory_space<vmem>>, vector<32x4096xf32>
    %dot_general3A_9 = arith.constant dense<0.000000e+00> : vector<4096x64xf32>
    %dot_general3A_10 = tpu.matmul %get3A_8, %get3A_1, %dot_general3A_9 {dimension_numbers = #tpu.dot_dimension_numbers<[0], [0], [1], [1], [0, 1, 1, 1], [], []>, transpose_lhs_hint = false} : vector<32x4096xf32>, vector<32x64xf32>, vector<4096x64xf32> -> vector<4096x64xf32>
    %get3A_11 = arith.constant 0 : index
    %get3A_12 = arith.constant 0 : index
    %get3A_13 = vector.load %arg3[%get3A_11, %get3A_12] : memref<32x4096xf32, #tpu.memory_space<vmem>>, vector<32x4096xf32>
    %dot_general3A_14 = arith.constant dense<0.000000e+00> : vector<4096x64xf32>
    %dot_general3A_15 = tpu.matmul %get3A_13, %get3A_1, %dot_general3A_14 {dimension_numbers = #tpu.dot_dimension_numbers<[0], [0], [1], [1], [0, 1, 1, 1], [], []>, transpose_lhs_hint = false} : vector<32x4096xf32>, vector<32x64xf32>, vector<4096x64xf32> -> vector<4096x64xf32>
    %get3A_16 = arith.constant 0 : index
    %get3A_17 = arith.constant 0 : index
    %get3A_18 = vector.load %arg4[%get3A_16, %get3A_17] : memref<32x4096xf32, #tpu.memory_space<vmem>>, vector<32x4096xf32>
    %dot_general3A_19 = arith.constant dense<0.000000e+00> : vector<4096x64xf32>
    %dot_general3A_20 = tpu.matmul %get3A_18, %get3A_1, %dot_general3A_19 {dimension_numbers = #tpu.dot_dimension_numbers<[0], [0], [1], [1], [0, 1, 1, 1], [], []>, transpose_lhs_hint = false} : vector<32x4096xf32>, vector<32x64xf32>, vector<4096x64xf32> -> vector<4096x64xf32>
    %bitcast_convert_type3A = tpu.bitcast %dot_general3A_5 : vector<4096x64xf32> -> vector<4096x64xi32>
    %add3A = arith.constant 32767 : i32
    %add3A_21 = vector.broadcast %add3A : i32 to vector<4096x64xi32>
    %add3A_22 = arith.addi %bitcast_convert_type3A, %add3A_21 : vector<4096x64xi32>
    %shift_right_logical3A = arith.constant 16 : i32
    %shift_right_logical3A_23 = vector.broadcast %shift_right_logical3A : i32 to vector<4096x64xi32>
    %shift_right_logical3A_24 = arith.shrui %bitcast_convert_type3A, %shift_right_logical3A_23 : vector<4096x64xi32>
    %and3A = arith.constant 1 : i32
    %and3A_25 = vector.broadcast %and3A : i32 to vector<4096x64xi32>
    %and3A_26 = arith.andi %shift_right_logical3A_24, %and3A_25 : vector<4096x64xi32>
    %add3A_27 = arith.addi %add3A_22, %and3A_26 : vector<4096x64xi32>
    %bitcast_convert_type3A_28 = tpu.bitcast %dot_general3A_10 : vector<4096x64xf32> -> vector<4096x64xi32>
    %add3A_29 = arith.constant 32767 : i32
    %add3A_30 = vector.broadcast %add3A_29 : i32 to vector<4096x64xi32>
    %add3A_31 = arith.addi %bitcast_convert_type3A_28, %add3A_30 : vector<4096x64xi32>
    %shift_right_logical3A_32 = arith.constant 16 : i32
    %shift_right_logical3A_33 = vector.broadcast %shift_right_logical3A_32 : i32 to vector<4096x64xi32>
    %shift_right_logical3A_34 = arith.shrui %bitcast_convert_type3A_28, %shift_right_logical3A_33 : vector<4096x64xi32>
    %and3A_35 = arith.constant 1 : i32
    %and3A_36 = vector.broadcast %and3A_35 : i32 to vector<4096x64xi32>
    %and3A_37 = arith.andi %shift_right_logical3A_34, %and3A_36 : vector<4096x64xi32>
    %add3A_38 = arith.addi %add3A_31, %and3A_37 : vector<4096x64xi32>
    %bitcast_convert_type3A_39 = tpu.bitcast %dot_general3A_15 : vector<4096x64xf32> -> vector<4096x64xi32>
    %add3A_40 = arith.constant 32767 : i32
    %add3A_41 = vector.broadcast %add3A_40 : i32 to vector<4096x64xi32>
    %add3A_42 = arith.addi %bitcast_convert_type3A_39, %add3A_41 : vector<4096x64xi32>
    %shift_right_logical3A_43 = arith.constant 16 : i32
    %shift_right_logical3A_44 = vector.broadcast %shift_right_logical3A_43 : i32 to vector<4096x64xi32>
    %shift_right_logical3A_45 = arith.shrui %bitcast_convert_type3A_39, %shift_right_logical3A_44 : vector<4096x64xi32>
    %and3A_46 = arith.constant 1 : i32
    %and3A_47 = vector.broadcast %and3A_46 : i32 to vector<4096x64xi32>
    %and3A_48 = arith.andi %shift_right_logical3A_45, %and3A_47 : vector<4096x64xi32>
    %add3A_49 = arith.addi %add3A_42, %and3A_48 : vector<4096x64xi32>
    %bitcast_convert_type3A_50 = tpu.bitcast %dot_general3A_20 : vector<4096x64xf32> -> vector<4096x64xi32>
    %add3A_51 = arith.constant 32767 : i32
    %add3A_52 = vector.broadcast %add3A_51 : i32 to vector<4096x64xi32>
    %add3A_53 = arith.addi %bitcast_convert_type3A_50, %add3A_52 : vector<4096x64xi32>
    %shift_right_logical3A_54 = arith.constant 16 : i32
    %shift_right_logical3A_55 = vector.broadcast %shift_right_logical3A_54 : i32 to vector<4096x64xi32>
    %shift_right_logical3A_56 = arith.shrui %bitcast_convert_type3A_50, %shift_right_logical3A_55 : vector<4096x64xi32>
    %and3A_57 = arith.constant 1 : i32
    %and3A_58 = vector.broadcast %and3A_57 : i32 to vector<4096x64xi32>
    %and3A_59 = arith.andi %shift_right_logical3A_56, %and3A_58 : vector<4096x64xi32>
    %add3A_60 = arith.addi %add3A_53, %and3A_59 : vector<4096x64xi32>
    %shift_right_logical3A_61 = arith.constant 16 : i32
    %shift_right_logical3A_62 = vector.broadcast %shift_right_logical3A_61 : i32 to vector<4096x64xi32>
    %shift_right_logical3A_63 = arith.shrui %add3A_27, %shift_right_logical3A_62 : vector<4096x64xi32>
    %and3A_64 = arith.constant -65536 : i32
    %and3A_65 = vector.broadcast %and3A_64 : i32 to vector<4096x64xi32>
    %and3A_66 = arith.andi %add3A_38, %and3A_65 : vector<4096x64xi32>
    %or3A = arith.ori %shift_right_logical3A_63, %and3A_66 : vector<4096x64xi32>
    %shift_right_logical3A_67 = arith.constant 16 : i32
    %shift_right_logical3A_68 = vector.broadcast %shift_right_logical3A_67 : i32 to vector<4096x64xi32>
    %shift_right_logical3A_69 = arith.shrui %add3A_49, %shift_right_logical3A_68 : vector<4096x64xi32>
    %and3A_70 = arith.constant -65536 : i32
    %and3A_71 = vector.broadcast %and3A_70 : i32 to vector<4096x64xi32>
    %and3A_72 = arith.andi %add3A_60, %and3A_71 : vector<4096x64xi32>
    %or3A_73 = arith.ori %shift_right_logical3A_69, %and3A_72 : vector<4096x64xi32>
    %concatenate3A = tpu.concatenate %or3A, %or3A_73 in 1 : vector<4096x64xi32>, vector<4096x64xi32> -> vector<4096x128xi32>
    %bitcast_convert_type3A_74 = tpu.bitcast %concatenate3A : vector<4096x128xi32> -> vector<4096x128xf32>
    %swap3A = arith.constant 0 : index
    %swap3A_75 = arith.constant 0 : index
    %swap3A_76 = vector.load %arg6[%swap3A, %swap3A_75] : memref<4096x128xf32, #tpu.memory_space<vmem>>, vector<4096x128xf32>
    tpu.vector_store %arg6[%swap3A, %swap3A_75], %bitcast_convert_type3A_74 {strides = array<i32>} : memref<4096x128xf32, #tpu.memory_space<vmem>>, vector<4096x128xf32>,
    return
  }
  func.func @transform_0(%arg0: i32) -> (i32, i32) {
    %add3A = arith.constant 0 : i32
    %add3A_0 = arith.addi %arg0, %add3A : i32
    %min3A = arith.constant 244 : i32
    %min3A_1 = arith.minsi %add3A_0, %min3A : i32
    %c0_i32 = arith.constant 0 : i32
    %c0_i32_2 = arith.constant 0 : i32
    return %c0_i32, %min3A_1 : i32, i32
  }
  func.func @transform_1(%arg0: i32) -> (i32, i32) {
    %add3A = arith.constant 64 : i32
    %add3A_0 = arith.addi %arg0, %add3A : i32
    %min3A = arith.constant 244 : i32
    %min3A_1 = arith.minsi %add3A_0, %min3A : i32
    %c0_i32 = arith.constant 0 : i32
    %c0_i32_2 = arith.constant 0 : i32
    return %c0_i32, %min3A_1 : i32, i32
  }
  func.func @transform_2(%arg0: i32) -> (i32, i32) {
    %add3A = arith.constant 128 : i32
    %add3A_0 = arith.addi %arg0, %add3A : i32
    %min3A = arith.constant 244 : i32
    %min3A_1 = arith.minsi %add3A_0, %min3A : i32
    %c0_i32 = arith.constant 0 : i32
    %c0_i32_2 = arith.constant 0 : i32
    return %c0_i32, %min3A_1 : i32, i32
  }
  func.func @transform_3(%arg0: i32) -> (i32, i32) {
    %add3A = arith.constant 192 : i32
    %add3A_0 = arith.addi %arg0, %add3A : i32
    %min3A = arith.constant 244 : i32
    %min3A_1 = arith.minsi %add3A_0, %min3A : i32
    %c0_i32 = arith.constant 0 : i32
    %c0_i32_2 = arith.constant 0 : i32
    return %c0_i32, %min3A_1 : i32, i32
  }
  func.func @transform_4(%arg0: i32) -> (i32, i32) {
    %c0_i32 = arith.constant 0 : i32
    %c0_i32_0 = arith.constant 0 : i32
    %c0_i32_1 = arith.constant 0 : i32
    return %c0_i32, %c0_i32_0 : i32, i32
  }
  func.func @transform_5(%arg0: i32) -> (i32, i32) {
    %c0_i32 = arith.constant 0 : i32
    %c0_i32_0 = arith.constant 0 : i32
    return %arg0, %c0_i32 : i32, i32
  }
}

module attributes {stable_mosaic.version = 14 : i64} {
  func.func @_mlp_loss_kernel(%arg0: i32, %arg1: memref<4096x128xf32, #tpu.memory_space<vmem>>, %arg2: memref<4096x128xf32, #tpu.memory_space<vmem>>, %arg3: memref<4096x128xf32, #tpu.memory_space<vmem>>, %arg4: memref<4096x1xi32, #tpu.memory_space<vmem>>, %arg5: memref<4096x1xi32, #tpu.memory_space<vmem>>, %arg6: memref<4096x1xi32, #tpu.memory_space<vmem>>, %arg7: memref<1x64xf32, #tpu.memory_space<vmem>>, %arg8: memref<1x64xf32, #tpu.memory_space<vmem>>, %arg9: memref<1x1xf32, #tpu.memory_space<vmem>>, %arg10: memref<1x1xf32, #tpu.memory_space<smem>>) attributes {dimension_semantics = [#tpu.dimension_semantics<arbitrary>], iteration_bounds = array<i64: 4>, scalar_prefetch = 0 : i64, scratch_operands = 0 : i64, tpu.core_type = #tpu.core_type<tc>, window_params = [{transform_indices = @transform_0, window_bounds = array<i64: 4096, 128>}, {transform_indices = @transform_1, window_bounds = array<i64: 4096, 128>}, {transform_indices = @transform_2, window_bounds = array<i64: 4096, 128>}, {transform_indices = @transform_3, window_bounds = array<i64: 4096, 1>}, {transform_indices = @transform_4, window_bounds = array<i64: 4096, 1>}, {transform_indices = @transform_5, window_bounds = array<i64: 4096, 1>}, {pipeline_mode = #tpu.pipeline_mode<synchronous>, transform_indices = @transform_6, window_bounds = array<i64: 1, 64>}, {pipeline_mode = #tpu.pipeline_mode<synchronous>, transform_indices = @transform_7, window_bounds = array<i64: 1, 64>}, {pipeline_mode = #tpu.pipeline_mode<synchronous>, transform_indices = @transform_8, window_bounds = array<i64: 1, 1>}, {transform_indices = @transform_9, window_bounds = array<i64: 1, 1>}]} {
    %get3A = arith.constant 0 : index
    %get3A_0 = arith.constant 0 : index
    %get3A_1 = vector.load %arg4[%get3A, %get3A_0] : memref<4096x1xi32, #tpu.memory_space<vmem>>, vector<4096x1xi32>
    %get3A_2 = arith.constant 0 : index
    %get3A_3 = arith.constant 0 : index
    %get3A_4 = vector.load %arg5[%get3A_2, %get3A_3] : memref<4096x1xi32, #tpu.memory_space<vmem>>, vector<4096x1xi32>
    %get3A_5 = arith.constant 0 : index
    %get3A_6 = arith.constant 0 : index
    %get3A_7 = vector.load %arg6[%get3A_5, %get3A_6] : memref<4096x1xi32, #tpu.memory_space<vmem>>, vector<4096x1xi32>
    %get3A_8 = arith.constant 0 : index
    %get3A_9 = arith.constant 0 : index
    %get3A_10 = vector.load %arg1[%get3A_8, %get3A_9] : memref<4096x128xf32, #tpu.memory_space<vmem>>, vector<4096x128xf32>
    %and3A = arith.constant 524288 : i32
    %and3A_11 = vector.broadcast %and3A : i32 to vector<4096x1xi32>
    %and3A_12 = arith.andi %get3A_1, %and3A_11 : vector<4096x1xi32>
    %gt3A = arith.constant 0 : i32
    %gt3A_13 = vector.broadcast %gt3A : i32 to vector<4096x1xi32>
    %gt3A_14 = arith.cmpi ugt, %and3A_12, %gt3A_13 : vector<4096x1xi32>
    %slice3A = vector.extract_strided_slice %get3A_10 {offsets = [0, 64], sizes = [4096, 64], strides = [1, 1]} : vector<4096x128xf32> to vector<4096x64xf32>
    %slice3A_15 = vector.extract_strided_slice %get3A_10 {offsets = [0, 0], sizes = [4096, 64], strides = [1, 1]} : vector<4096x128xf32> to vector<4096x64xf32>
    %broadcast_in_dim3A = vector.shape_cast %gt3A_14 : vector<4096x1xi1> to vector<4096x1xi1>
    %broadcast_in_dim3A_16 = vector.broadcast %broadcast_in_dim3A : vector<4096x1xi1> to vector<4096x64xi1>
    %select_n3A = arith.select %broadcast_in_dim3A_16, %slice3A, %slice3A_15 : vector<4096x64xi1>, vector<4096x64xf32>
    %bitcast_convert_type3A = tpu.bitcast %select_n3A : vector<4096x64xf32> -> vector<4096x64xi32>
    %shift_left3A = arith.constant 16 : i32
    %shift_left3A_17 = vector.broadcast %shift_left3A : i32 to vector<4096x64xi32>
    %shift_left3A_18 = arith.shli %bitcast_convert_type3A, %shift_left3A_17 : vector<4096x64xi32>
    %bitcast_convert_type3A_19 = tpu.bitcast %shift_left3A_18 : vector<4096x64xi32> -> vector<4096x64xf32>
    %and3A_20 = arith.constant -65536 : i32
    %and3A_21 = vector.broadcast %and3A_20 : i32 to vector<4096x64xi32>
    %and3A_22 = arith.andi %bitcast_convert_type3A, %and3A_21 : vector<4096x64xi32>
    %bitcast_convert_type3A_23 = tpu.bitcast %and3A_22 : vector<4096x64xi32> -> vector<4096x64xf32>
    %and3A_24 = arith.constant 262144 : i32
    %and3A_25 = vector.broadcast %and3A_24 : i32 to vector<4096x1xi32>
    %and3A_26 = arith.andi %get3A_1, %and3A_25 : vector<4096x1xi32>
    %gt3A_27 = arith.constant 0 : i32
    %gt3A_28 = vector.broadcast %gt3A_27 : i32 to vector<4096x1xi32>
    %gt3A_29 = arith.cmpi ugt, %and3A_26, %gt3A_28 : vector<4096x1xi32>
    %broadcast_in_dim3A_30 = vector.shape_cast %gt3A_29 : vector<4096x1xi1> to vector<4096x1xi1>
    %broadcast_in_dim3A_31 = vector.broadcast %broadcast_in_dim3A_30 : vector<4096x1xi1> to vector<4096x64xi1>
    %select_n3A_32 = arith.select %broadcast_in_dim3A_31, %bitcast_convert_type3A_23, %bitcast_convert_type3A_19 : vector<4096x64xi1>, vector<4096x64xf32>
    %get3A_33 = arith.constant 0 : index
    %get3A_34 = arith.constant 0 : index
    %get3A_35 = vector.load %arg2[%get3A_33, %get3A_34] : memref<4096x128xf32, #tpu.memory_space<vmem>>, vector<4096x128xf32>
    %and3A_36 = arith.constant 524288 : i32
    %and3A_37 = vector.broadcast %and3A_36 : i32 to vector<4096x1xi32>
    %and3A_38 = arith.andi %get3A_4, %and3A_37 : vector<4096x1xi32>
    %gt3A_39 = arith.constant 0 : i32
    %gt3A_40 = vector.broadcast %gt3A_39 : i32 to vector<4096x1xi32>
    %gt3A_41 = arith.cmpi ugt, %and3A_38, %gt3A_40 : vector<4096x1xi32>
    %slice3A_42 = vector.extract_strided_slice %get3A_35 {offsets = [0, 64], sizes = [4096, 64], strides = [1, 1]} : vector<4096x128xf32> to vector<4096x64xf32>
    %slice3A_43 = vector.extract_strided_slice %get3A_35 {offsets = [0, 0], sizes = [4096, 64], strides = [1, 1]} : vector<4096x128xf32> to vector<4096x64xf32>
    %broadcast_in_dim3A_44 = vector.shape_cast %gt3A_41 : vector<4096x1xi1> to vector<4096x1xi1>
    %broadcast_in_dim3A_45 = vector.broadcast %broadcast_in_dim3A_44 : vector<4096x1xi1> to vector<4096x64xi1>
    %select_n3A_46 = arith.select %broadcast_in_dim3A_45, %slice3A_42, %slice3A_43 : vector<4096x64xi1>, vector<4096x64xf32>
    %bitcast_convert_type3A_47 = tpu.bitcast %select_n3A_46 : vector<4096x64xf32> -> vector<4096x64xi32>
    %shift_left3A_48 = arith.constant 16 : i32
    %shift_left3A_49 = vector.broadcast %shift_left3A_48 : i32 to vector<4096x64xi32>
    %shift_left3A_50 = arith.shli %bitcast_convert_type3A_47, %shift_left3A_49 : vector<4096x64xi32>
    %bitcast_convert_type3A_51 = tpu.bitcast %shift_left3A_50 : vector<4096x64xi32> -> vector<4096x64xf32>
    %and3A_52 = arith.constant -65536 : i32
    %and3A_53 = vector.broadcast %and3A_52 : i32 to vector<4096x64xi32>
    %and3A_54 = arith.andi %bitcast_convert_type3A_47, %and3A_53 : vector<4096x64xi32>
    %bitcast_convert_type3A_55 = tpu.bitcast %and3A_54 : vector<4096x64xi32> -> vector<4096x64xf32>
    %and3A_56 = arith.constant 262144 : i32
    %and3A_57 = vector.broadcast %and3A_56 : i32 to vector<4096x1xi32>
    %and3A_58 = arith.andi %get3A_4, %and3A_57 : vector<4096x1xi32>
    %gt3A_59 = arith.constant 0 : i32
    %gt3A_60 = vector.broadcast %gt3A_59 : i32 to vector<4096x1xi32>
    %gt3A_61 = arith.cmpi ugt, %and3A_58, %gt3A_60 : vector<4096x1xi32>
    %broadcast_in_dim3A_62 = vector.shape_cast %gt3A_61 : vector<4096x1xi1> to vector<4096x1xi1>
    %broadcast_in_dim3A_63 = vector.broadcast %broadcast_in_dim3A_62 : vector<4096x1xi1> to vector<4096x64xi1>
    %select_n3A_64 = arith.select %broadcast_in_dim3A_63, %bitcast_convert_type3A_55, %bitcast_convert_type3A_51 : vector<4096x64xi1>, vector<4096x64xf32>
    %get3A_65 = arith.constant 0 : index
    %get3A_66 = arith.constant 0 : index
    %get3A_67 = vector.load %arg3[%get3A_65, %get3A_66] : memref<4096x128xf32, #tpu.memory_space<vmem>>, vector<4096x128xf32>
    %and3A_68 = arith.constant 524288 : i32
    %and3A_69 = vector.broadcast %and3A_68 : i32 to vector<4096x1xi32>
    %and3A_70 = arith.andi %get3A_7, %and3A_69 : vector<4096x1xi32>
    %gt3A_71 = arith.constant 0 : i32
    %gt3A_72 = vector.broadcast %gt3A_71 : i32 to vector<4096x1xi32>
    %gt3A_73 = arith.cmpi ugt, %and3A_70, %gt3A_72 : vector<4096x1xi32>
    %slice3A_74 = vector.extract_strided_slice %get3A_67 {offsets = [0, 64], sizes = [4096, 64], strides = [1, 1]} : vector<4096x128xf32> to vector<4096x64xf32>
    %slice3A_75 = vector.extract_strided_slice %get3A_67 {offsets = [0, 0], sizes = [4096, 64], strides = [1, 1]} : vector<4096x128xf32> to vector<4096x64xf32>
    %broadcast_in_dim3A_76 = vector.shape_cast %gt3A_73 : vector<4096x1xi1> to vector<4096x1xi1>
    %broadcast_in_dim3A_77 = vector.broadcast %broadcast_in_dim3A_76 : vector<4096x1xi1> to vector<4096x64xi1>
    %select_n3A_78 = arith.select %broadcast_in_dim3A_77, %slice3A_74, %slice3A_75 : vector<4096x64xi1>, vector<4096x64xf32>
    %bitcast_convert_type3A_79 = tpu.bitcast %select_n3A_78 : vector<4096x64xf32> -> vector<4096x64xi32>
    %shift_left3A_80 = arith.constant 16 : i32
    %shift_left3A_81 = vector.broadcast %shift_left3A_80 : i32 to vector<4096x64xi32>
    %shift_left3A_82 = arith.shli %bitcast_convert_type3A_79, %shift_left3A_81 : vector<4096x64xi32>
    %bitcast_convert_type3A_83 = tpu.bitcast %shift_left3A_82 : vector<4096x64xi32> -> vector<4096x64xf32>
    %and3A_84 = arith.constant -65536 : i32
    %and3A_85 = vector.broadcast %and3A_84 : i32 to vector<4096x64xi32>
    %and3A_86 = arith.andi %bitcast_convert_type3A_79, %and3A_85 : vector<4096x64xi32>
    %bitcast_convert_type3A_87 = tpu.bitcast %and3A_86 : vector<4096x64xi32> -> vector<4096x64xf32>
    %and3A_88 = arith.constant 262144 : i32
    %and3A_89 = vector.broadcast %and3A_88 : i32 to vector<4096x1xi32>
    %and3A_90 = arith.andi %get3A_7, %and3A_89 : vector<4096x1xi32>
    %gt3A_91 = arith.constant 0 : i32
    %gt3A_92 = vector.broadcast %gt3A_91 : i32 to vector<4096x1xi32>
    %gt3A_93 = arith.cmpi ugt, %and3A_90, %gt3A_92 : vector<4096x1xi32>
    %broadcast_in_dim3A_94 = vector.shape_cast %gt3A_93 : vector<4096x1xi1> to vector<4096x1xi1>
    %broadcast_in_dim3A_95 = vector.broadcast %broadcast_in_dim3A_94 : vector<4096x1xi1> to vector<4096x64xi1>
    %select_n3A_96 = arith.select %broadcast_in_dim3A_95, %bitcast_convert_type3A_87, %bitcast_convert_type3A_83 : vector<4096x64xi1>, vector<4096x64xf32>
    %get3A_97 = arith.constant 0 : index
    %get3A_98 = arith.constant 0 : index
    %get3A_99 = vector.load %arg7[%get3A_97, %get3A_98] : memref<1x64xf32, #tpu.memory_space<vmem>>, vector<1x64xf32>
    %add3A = arith.addf %select_n3A_32, %select_n3A_64 : vector<4096x64xf32>
    %add3A_100 = vector.broadcast %get3A_99 : vector<1x64xf32> to vector<4096x64xf32>
    %add3A_101 = arith.addf %add3A, %add3A_100 : vector<4096x64xf32>
    %max3A = arith.constant 0.000000e+00 : f32
    %max3A_102 = vector.broadcast %max3A : f32 to vector<4096x64xf32>
    %max3A_103 = arith.maximumf %add3A_101, %max3A_102 : vector<4096x64xf32>
    %add3A_104 = arith.addf %select_n3A_32, %select_n3A_96 : vector<4096x64xf32>
    %add3A_105 = vector.broadcast %get3A_99 : vector<1x64xf32> to vector<4096x64xf32>
    %add3A_106 = arith.addf %add3A_104, %add3A_105 : vector<4096x64xf32>
    %max3A_107 = arith.constant 0.000000e+00 : f32
    %max3A_108 = vector.broadcast %max3A_107 : f32 to vector<4096x64xf32>
    %max3A_109 = arith.maximumf %add3A_106, %max3A_108 : vector<4096x64xf32>
    %get3A_110 = arith.constant 0 : index
    %get3A_111 = arith.constant 0 : index
    %get3A_112 = vector.load %arg8[%get3A_110, %get3A_111] : memref<1x64xf32, #tpu.memory_space<vmem>>, vector<1x64xf32>
    %get3A_113 = arith.constant 0 : index
    %get3A_114 = arith.constant 0 : index
    %get3A_115 = vector.load %arg9[%get3A_113, %get3A_114] : memref<1x1xf32, #tpu.memory_space<vmem>>, vector<1x1xf32>
    %get3A_116 = vector.extract %get3A_115[0, 0] : f32 from vector<1x1xf32>
    %mul3A = vector.broadcast %get3A_112 : vector<1x64xf32> to vector<4096x64xf32>
    %mul3A_117 = arith.mulf %max3A_103, %mul3A : vector<4096x64xf32>
    %reduce_sum3A = arith.constant dense<0.000000e+00> : vector<4096xf32>
    %reduce_sum3A_118 = vector.multi_reduction <add>, %mul3A_117, %reduce_sum3A [1] : vector<4096x64xf32> to vector<4096xf32>
    %broadcast_in_dim3A_119 = vector.shape_cast %reduce_sum3A_118 : vector<4096xf32> to vector<4096x1xf32>
    %add3A_120 = vector.broadcast %get3A_116 : f32 to vector<4096x1xf32>
    %add3A_121 = arith.addf %broadcast_in_dim3A_119, %add3A_120 : vector<4096x1xf32>
    %max3A_122 = arith.constant 0.000000e+00 : f32
    %max3A_123 = vector.broadcast %max3A_122 : f32 to vector<4096x1xf32>
    %max3A_124 = arith.maximumf %add3A_121, %max3A_123 : vector<4096x1xf32>
    %mul3A_125 = vector.broadcast %get3A_112 : vector<1x64xf32> to vector<4096x64xf32>
    %mul3A_126 = arith.mulf %max3A_109, %mul3A_125 : vector<4096x64xf32>
    %reduce_sum3A_127 = arith.constant dense<0.000000e+00> : vector<4096xf32>
    %reduce_sum3A_128 = vector.multi_reduction <add>, %mul3A_126, %reduce_sum3A_127 [1] : vector<4096x64xf32> to vector<4096xf32>
    %broadcast_in_dim3A_129 = vector.shape_cast %reduce_sum3A_128 : vector<4096xf32> to vector<4096x1xf32>
    %add3A_130 = vector.broadcast %get3A_116 : f32 to vector<4096x1xf32>
    %add3A_131 = arith.addf %broadcast_in_dim3A_129, %add3A_130 : vector<4096x1xf32>
    %max3A_132 = arith.constant 0.000000e+00 : f32
    %max3A_133 = vector.broadcast %max3A_132 : f32 to vector<4096x1xf32>
    %max3A_134 = arith.maximumf %add3A_131, %max3A_133 : vector<4096x1xf32>
    %sub3A = arith.subf %max3A_134, %max3A_124 : vector<4096x1xf32>
    %add3A_135 = arith.constant 1.000000e+00 : f32
    %add3A_136 = vector.broadcast %add3A_135 : f32 to vector<4096x1xf32>
    %add3A_137 = arith.addf %sub3A, %add3A_136 : vector<4096x1xf32>
    %max3A_138 = arith.constant 0.000000e+00 : f32
    %max3A_139 = vector.broadcast %max3A_138 : f32 to vector<4096x1xf32>
    %max3A_140 = arith.maximumf %add3A_137, %max3A_139 : vector<4096x1xf32>
    %reduce_sum3A_141 = vector.shape_cast %max3A_140 : vector<4096x1xf32> to vector<1x4096x1xf32>
    %reduce_sum3A_142 = arith.constant dense<0.000000e+00> : vector<1xf32>
    %reduce_sum3A_143 = vector.multi_reduction <add>, %reduce_sum3A_141, %reduce_sum3A_142 [1, 2] : vector<1x4096x1xf32> to vector<1xf32>
    %reduce_sum3A_144 = vector.shape_cast %reduce_sum3A_143 : vector<1xf32> to vector<1x1x1xf32>
    %reduce_sum3A_145 = vector.extract %reduce_sum3A_144[0, 0, 0] : f32 from vector<1x1x1xf32>
    %div3A = arith.constant 1.638400e+04 : f32
    %div3A_146 = arith.divf %reduce_sum3A_145, %div3A : f32
    %eq3A = arith.constant 0 : i32
    %eq3A_147 = arith.cmpi eq, %arg0, %eq3A : i32
    %convert_element_type3A = arith.extui %eq3A_147 : i1 to i32
    %cond3A = arith.constant 0 : i32
    %cond3A_148 = arith.cmpi ne, %convert_element_type3A, %cond3A : i32
    scf.if %cond3A_148 {
      %swap3A_155 = arith.constant 0.000000e+00 : f32
      %swap3A_156 = arith.constant 0 : index
      %swap3A_157 = arith.constant 0 : index
      %swap3A_158 = memref.load %arg10[%swap3A_156, %swap3A_157] : memref<1x1xf32, #tpu.memory_space<smem>>
      memref.store %swap3A_155, %arg10[%swap3A_156, %swap3A_157] : memref<1x1xf32, #tpu.memory_space<smem>>
    } else {
    }
    %get3A_149 = arith.constant 0 : index
    %get3A_150 = arith.constant 0 : index
    %get3A_151 = memref.load %arg10[%get3A_149, %get3A_150] : memref<1x1xf32, #tpu.memory_space<smem>>
    %add3A_152 = arith.addf %get3A_151, %div3A_146 : f32
    %swap3A = arith.constant 0 : index
    %swap3A_153 = arith.constant 0 : index
    %swap3A_154 = memref.load %arg10[%swap3A, %swap3A_153] : memref<1x1xf32, #tpu.memory_space<smem>>
    memref.store %add3A_152, %arg10[%swap3A, %swap3A_153] : memref<1x1xf32, #tpu.memory_space<smem>>
    return
  }
  func.func @transform_0(%arg0: i32) -> (i32, i32) {
    %c0_i32 = arith.constant 0 : i32
    %c0_i32_0 = arith.constant 0 : i32
    return %arg0, %c0_i32 : i32, i32
  }
  func.func @transform_1(%arg0: i32) -> (i32, i32) {
    %c0_i32 = arith.constant 0 : i32
    %c0_i32_0 = arith.constant 0 : i32
    return %arg0, %c0_i32 : i32, i32
  }
  func.func @transform_2(%arg0: i32) -> (i32, i32) {
    %c0_i32 = arith.constant 0 : i32
    %c0_i32_0 = arith.constant 0 : i32
    return %arg0, %c0_i32 : i32, i32
  }
  func.func @transform_3(%arg0: i32) -> (i32, i32) {
    %c0_i32 = arith.constant 0 : i32
    %c0_i32_0 = arith.constant 0 : i32
    return %arg0, %c0_i32 : i32, i32
  }
  func.func @transform_4(%arg0: i32) -> (i32, i32) {
    %c0_i32 = arith.constant 0 : i32
    %c0_i32_0 = arith.constant 0 : i32
    return %arg0, %c0_i32 : i32, i32
  }
  func.func @transform_5(%arg0: i32) -> (i32, i32) {
    %c0_i32 = arith.constant 0 : i32
    %c0_i32_0 = arith.constant 0 : i32
    return %arg0, %c0_i32 : i32, i32
  }
  func.func @transform_6(%arg0: i32) -> (i32, i32) {
    %c0_i32 = arith.constant 0 : i32
    %c0_i32_0 = arith.constant 0 : i32
    %c0_i32_1 = arith.constant 0 : i32
    return %c0_i32, %c0_i32_0 : i32, i32
  }
  func.func @transform_7(%arg0: i32) -> (i32, i32) {
    %c0_i32 = arith.constant 0 : i32
    %c0_i32_0 = arith.constant 0 : i32
    %c0_i32_1 = arith.constant 0 : i32
    return %c0_i32, %c0_i32_0 : i32, i32
  }
  func.func @transform_8(%arg0: i32) -> (i32, i32) {
    %c0_i32 = arith.constant 0 : i32
    %c0_i32_0 = arith.constant 0 : i32
    %c0_i32_1 = arith.constant 0 : i32
    return %c0_i32, %c0_i32_0 : i32, i32
  }
  func.func @transform_9(%arg0: i32) -> (i32, i32) {
    %c0_i32 = arith.constant 0 : i32
    %c0_i32_0 = arith.constant 0 : i32
    %c0_i32_1 = arith.constant 0 : i32
    return %c0_i32, %c0_i32_0 : i32, i32
  }
}

</mosaic_0001>

<sc_bundles>
// kernel: kernel.10.cloned.1.call-start
scs
__scs_entry_jumppad:
0x0: {  	(pc) =	sbr.rel $0x88, $3  }
0x1: {  	(tag) =	ssettag $0x0;
	lr =	simm.s32 $0x1  }
0x2: {  	[smem:$0x3F98] =	sst lr;
	_ =	strace $0xD0000000  }
0x3: {  	_ = 	snop  }
0x4: {  	_ = 	snop  }
0x5: {  	_ = 	snop  }
0x6: {  	_ = 	snop  }
0x7: {  	_ = 	snop  }
__scs_overlays_trampoline_lowered:
0x8: {  	[smem:$0x3FA7] =	sst s0  }
0x9: {  	[smem:$0x3FA8] =	sst s1  }
0xa: {  	[smem:$0x3FA9] =	sst s2  }
0xb: {  	[smem:$0x3FAA] =	sst s3  }
0xc: {  	[smem:$0x3FAB] =	sst s4  }
0xd: {  	[smem:$0x3FAC] =	sst s5  }
0xe: {  	[smem:$0x3FAD] =	sst s6  }
0xf: {  	[smem:$0x3FAE] =	sst s7  }
0x10: {  	[smem:$0x3FAF] =	sst s8  }
0x11: {  	[smem:$0x3FB0] =	sst s9;
	s0 =	simm.s32 @!p0 $0x0  }
0x12: {  	s1 =	sld [smem:$0x3F96];
	s0 =	simm.s32 @p0 $0x1  }
0x13: {  	[smem:$0x3FB1] =	sst s0;
	s0 =	simm.s32 @!p1 $0x0  }
0x14: {  	s2 =	sld [smem:$0x3F95];
	s0 =	simm.s32 @p1 $0x1  }
0x15: {  	[smem:$0x3FB2] =	sst s0;
	s0 =	simm.s32 @!p2 $0x0  }
0x16: {  	s3 =	sld [smem:$0x3FDB];
	s0 =	simm.s32 @p2 $0x1  }
0x17: {  	s4 =	simm.s32 $0x1BF5;
	[smem:$0x3FB4] =	sst s0  }
0x18: {  	s0 =	sld [smem:$0x3F97];
	_ =	swait.ge [sflag:s4], $0x0  }
0x19: {  	s7 =	sld [smem:$0x3F98]  }
0x1a: {  	s8 =	sadd.s32 $0xFFFFE003, lr  }
0x1b: {  	s9 =	sadd.s32 $0xFFFFFEF7, lr;
	s5 =	simm.s32 $0xFFFFFFFF;
	p2 =	slt.u32 s8, $0xFFFFF086  }
0x1c: {  	p1 =	slt.u32 s9, $0xF7A;
	s5 =	simm.s32 @!p2 $0x0  }
0x1d: {  	s5 =	simm.s32 @p1 $0x1;
	p0 =	seq.s32 s7, s2  }
0x1e: {  	s7 =	smul.u32 @!p0 $0xF7A, s2;
	p2 =	seq.s32 @!p0 s5, $0x0  }
0x1f: {  	s9 =	smul.u32 $0xF7A, s1;
	s8 =	simm.s32 @!p0 $0x1BF5;
	p2 =	por !p2, p0  }
0x20: {  	[sflag:s8] =	ssyncset.s32 @!p0 $0xFFFFF086;
	s6 =	sadd.s32 @!p0 s3, s7;
	s7 =	simm.s32 @!p0 $0x108  }
0x21: {  	s3 =	sadd.s32 s3, s9;
	s6 =	sadd.s32 @!p0 $0x88, s6;
	s7 =	simm.s32 @p2 $0x1082  }
0x22: {  	[simem:s7], [sflag:s8] =	dma.local @!p0 [hbm:s6], $0xF7A  }
0x23: {  	s9 =	sor.u32 $0xD0000000, s2;
	s6 =	simm.s32 $0x108;
	_ =	swait.ge @!p0 [sflag:s8], $0x0  }
0x24: {  	s3 =	sadd.s32 $0x88, s3;
	s6 =	simm.s32 @!p1 $0x1082;
	[sflag:s4] =	ssyncset.s32 $0xFFFFF086  }
0x25: {  	[simem:s6], [sflag:s4] =	dma.local [hbm:s3], $0xF7A  }
0x26: {  	[smem:$0x3F98] =	sst s1;
	(tag) =	ssettag s2;
	_ =	strace s9  }
0x27: {  	s1 =	sld [smem:$0x3FA8]  }
0x28: {  	s2 =	sld [smem:$0x3FA9]  }
0x29: {  	s4 =	sld [smem:$0x3FAB]  }
0x2a: {  	p0 =	seq.s32 s5, $0x0;
	s5 =	sld [smem:$0x3FAC]  }
0x2b: {  	s6 =	sld [smem:$0x3FAD]  }
0x2c: {  	s7 =	sld [smem:$0x3FAE]  }
0x2d: {  	s3 =	simm.s32 $0x108;
	s8 =	sld [smem:$0x3FAF]  }
0x2e: {  	s3 =	simm.s32 @!p0 $0x1082;
	s9 =	sld [smem:$0x3FB0]  }
0x2f: {  	lr =	sadd.s32 s0, s3;
	s0 =	sld [smem:$0x3FA7]  }
0x30: {  	s3 =	sld [smem:$0x3FAA]  }
0x31: {  	[smem:$0x3FB3] =	sst s10  }
0x32: {  	s10 =	sld [smem:$0x3FB1];
	_ =	sdelay $0x3  }
0x33: {  	p0 =	seq.s32 s10, $0x1;
	s10 =	sld [smem:$0x3FB3];
	_ =	sdelay $0x3  }
0x34: {  	[smem:$0x3FB3] =	sst s10  }
0x35: {  	s10 =	sld [smem:$0x3FB2];
	_ =	sdelay $0x3  }
0x36: {  	p1 =	seq.s32 s10, $0x1;
	s10 =	sld [smem:$0x3FB3];
	_ =	sdelay $0x3  }
0x37: {  	[smem:$0x3FB3] =	sst s10  }
0x38: {  	s10 =	sld [smem:$0x3FB4]  }
0x39: {  	_ = 	snop;
	(pc) =	sbr.ind lr, $3  }
0x3a: {  	_ = 	snop  }
0x3b: {  	_ = 	snop  }
0x3c: {  	p2 =	seq.s32 s10, $0x1;
	s10 =	sld [smem:$0x3FB3]  }
0x3d: {  	_ =	shalt  }
0x3e: {  	_ =	shalt  }
0x3f: {  	_ =	shalt  }
0x40: {  	_ =	shalt  }
0x41: {  	_ =	shalt  }
0x42: {  	_ =	shalt  }
0x43: {  	_ =	shalt  }
0x44: {  	_ =	shalt  }
0x45: {  	_ =	shalt  }
0x46: {  	_ =	shalt  }
0x47: {  	_ =	shalt  }
0x48: {  	_ =	shalt  }
0x49: {  	_ =	shalt  }
0x4a: {  	_ =	shalt  }
0x4b: {  	_ =	shalt  }
0x4c: {  	_ =	shalt  }
0x4d: {  	_ =	shalt  }
0x4e: {  	_ =	shalt  }
0x4f: {  	_ =	shalt  }
0x50: {  	_ =	shalt  }
0x51: {  	_ =	shalt  }
0x52: {  	_ =	shalt  }
0x53: {  	_ =	shalt  }
0x54: {  	_ =	shalt  }
0x55: {  	_ =	shalt  }
0x56: {  	_ =	shalt  }
0x57: {  	_ =	shalt  }
0x58: {  	_ =	shalt  }
0x59: {  	_ =	shalt  }
0x5a: {  	_ =	shalt  }
0x5b: {  	_ =	shalt  }
0x5c: {  	_ =	shalt  }
0x5d: {  	_ =	shalt  }
0x5e: {  	_ =	shalt  }
0x5f: {  	_ =	shalt  }
0x60: {  	_ =	shalt  }
0x61: {  	_ =	shalt  }
0x62: {  	_ =	shalt  }
0x63: {  	_ =	shalt  }
0x64: {  	_ =	shalt  }
0x65: {  	_ =	shalt  }
0x66: {  	_ =	shalt  }
0x67: {  	_ =	shalt  }
0x68: {  	_ =	shalt  }
0x69: {  	_ =	shalt  }
0x6a: {  	_ =	shalt  }
0x6b: {  	_ =	shalt  }
0x6c: {  	_ =	shalt  }
0x6d: {  	_ =	shalt  }
0x6e: {  	_ =	shalt  }
0x6f: {  	_ =	shalt  }
0x70: {  	_ =	shalt  }
0x71: {  	_ =	shalt  }
0x72: {  	_ =	shalt  }
0x73: {  	_ =	shalt  }
0x74: {  	_ =	shalt  }
0x75: {  	_ =	shalt  }
0x76: {  	_ =	shalt  }
0x77: {  	_ =	shalt  }
0x78: {  	_ =	shalt  }
0x79: {  	_ =	shalt  }
0x7a: {  	_ =	shalt  }
0x7b: {  	_ =	shalt  }
0x7c: {  	_ =	shalt  }
0x7d: {  	_ =	shalt  }
0x7e: {  	_ =	shalt  }
0x7f: {  	_ =	shalt  }
0x80: {  	_ =	shalt  }
0x81: {  	_ =	shalt  }
0x82: {  	_ =	shalt  }
0x83: {  	_ =	shalt  }
0x84: {  	_ =	shalt  }
0x85: {  	_ =	shalt  }
0x86: {  	_ =	shalt  }
0x87: {  	_ =	shalt  }
.Lfunc_end0:
.L_simem_size_0:
called_computation.1_lowered:
.L_overlay_start_0:
0x88: {  	s2 =	sld [smem:$0x3FD9]  }
0x89: {  	s3 =	sld [smem:$0x3FFE];
	_ =	sdelay $0x1  }
0x8a: {  	s1 =	srdreg.scid  }
0x8b: {  	s0 =	sand.u32 $0x1, s1  }
0x8c: {  	s16 =	sshll.u32 s0, $0xA;
	s2 =	sadd.s32 s3, s2  }
0x8d: {  	s2 =	sadd.s32 s2, s16  }
0x8e: {  	[smem:$0x3FBF] =	sst s2  }
0x8f: {  	_ = 	snop  }
0x90: {  	(tm) =	ssettm $0x1  }
0x91: {  	s17 =	sld [smem:$0x3FFB];
	_ =	sdelay $0x3  }
0x92: {  	_ =	strace s17  }
0x93: {  	s2 =	sld [smem:$0x3FFC];
	_ =	sdelay $0x3  }
0x94: {  	_ =	strace s2  }
0x95: {  	s2 =	sld [smem:$0x3FFD];
	_ =	sdelay $0x3  }
0x96: {  	_ =	strace s2  }
0x97: {  	_ =	strace $0x8FFFFFFF  }
0x98: {  	s18 =	sld [smem:$0x3FDB];
	_ =	sdelay $0x1  }
0x99: {  	s19 =	simm.s32 $_scs_section_size  }
0x9a: {  	s4 =	simm.s32 $_size__tile_overlayer_lowered;
	s5 =	simm.s32 $_tile_overlayer_lowered  }
0x9b: {  	s22 =	simm.s32 $0x1BFF;
	s21 =	sshll.u32 s5, $0x1;
	s2 =	sadd.s32 s19, s18  }
0x9c: {  	s6 =	simm.s32 $0x0;
	s20 =	sshll.u32 s4, $0x1;
	s4 =	sadd.s32 s21, s2  }
0x9d: {  	[timem:s6], [sflag:s22] =	dma.local [hbm:s4], s20  }
0x9e: {  	_ =	swait.ge [sflag:s22], s20  }
0x9f: {  	s3 =	ssub.s32 $0x0, s20;
	[sflag:s22] =	ssyncset.done $0x0  }
0xa0: {  	[sflag:s22] =	ssyncadd.s32 s3;
	_ =	sdelay $0x1  }
0xa1: {  	s23 =	simm.s32 $0x1B8B  }
0xa2: {  	_ =	swait.ge [sflag:s23], $0x1  }
0xa3: {  	[sflag:s23] =	ssyncset.done $0x0  }
0xa4: {  	s25 =	simm.s32 $0x1B8E;
	s24 =	sld [smem:$0x3FFE];
	[sflag:s23] =	ssyncadd.s32 $0xFFFFFFFF  }
0xa5: {  	s26 =	simm.s32 $execute0_lowered;
	[smem:$0x3FD2] =	sst s25  }
0xa6: {  	s4 =	sshll.u32 s26, $0x1;
	_ =	strace $0x80000046;
	[dreg:$0x1] =	wrdreg $0xFFFFFFFF  }
0xa7: {  	s28 =	simm.s32 $_size_execute0_lowered;
	s2 =	sadd.s32 s2, s4;
	[dreg:$0x0] =	wrdreg $0x0  }
0xa8: {  	s4 =	sshll.u32 s28, $0x1;
	[dreg:$0x2] =	wrdreg s2  }
0xa9: {  	[dreg:$0x3] =	wrdreg s4  }
0xaa: {  	[dreg:$0x4] =	wrdreg $0xC0  }
0xab: {  	_ =	task [dreg:s6], $0x5FFFF  }
0xac: {  	[dreg:$0x1] =	wrdreg $0xFFFFFFFF  }
0xad: {  	[dreg:$0x0] =	wrdreg $0x60  }
0xae: {  	[dreg:$0x2] =	wrdreg s24  }
0xaf: {  	[dreg:$0x3] =	wrdreg $0xA  }
0xb0: {  	_ =	task.clear_ibuf [dreg:s6], $0x4FFFF;
	_ =	strace $0x90000046  }
0xb1: {  	s29 =	simm.s32 $0xA;
	_ =	strace $0x80000048  }
0xb2: {  	_ =	swait.ge [sflag:s29], $0x1  }
0xb3: {  	[sflag:s29] =	ssyncadd.s32 $0xFFFFFFFF  }
0xb4: {  	_ =	strace $0x90000048  }
0xb5: {  	_ =	sfence  }
0xb6: {  	s30 =	sld [smem:$0x0];
	_ =	sdelay $0x2  }
0xb7: {  	s31 =	sshll.u32 s1, $0xD;
	s1 =	sshrl.u32 s1, $0x2  }
0xb8: {  	s3 =	sand.u32 $0x4000, s31;
	s1 =	sadd.s32 s1, s30  }
0xb9: {  	s0 =	sor.u32 s3, s0;
	s1 =	sshll.u32 s1, $0x11  }
0xba: {  	s0 =	sor.u32 s1, s0  }
0xbb: {  	s0 =	sadd.s32 $0x8F2B, s0  }
0xbc: {  	[sflag:s0] =	ssyncadd.remote.s32 $0x1  }
0xbd: {  	_ =	sfence.sel $0xFFFF  }
0xbe: {  	[dreg:$0x0] =	wrdreg $0xFFFFFFFF;
	(pc) =	sbr.abs _section_cstart, $3  }
0xbf: {  	[dreg:$0x1] =	wrdreg $0xFFFFFFFF  }
0xc0: {  	_ =	task.clear_ibuf [dreg:s6], $0x2FFFF;
	_ =	strace $0x9FFFFFFF  }
0xc1: {  	(tm) =	ssettm $0x7FFFFFFF  }
tec
execute0_lowered:
.L_overlay_start_1:
0x0: {  	(tag) =	ssettag $0x1  }
0x1: {  	s1 =	srdreg.scid;
	s0 =	stileid.u32  }
0x2: {  	s26 =	sand.u32 $0x1, s1;
	s31 =	sshll.u32 s0, $0x1  }
0x3: {  	s17 =	rddreg [dreg:$0x0];
	s16 =	sor.u32 s26, s31  }
0x4: {  	s2 =	simm.s32 $0x0;
	s1 =	rddreg [dreg:$0x1];
	s3 =	sshll.u32 s16, $0x7  }
0x5: {  	[smem:$0x7FF] =	sst s2;
	s5 =	sadd.s32 s3, s17  }
0x6: {  	_ =	strace $0x80000047;
	s3 =	simm.s32 $0x3;
	s4 =	sadd.s32 $0x1E00, s5  }
0x7: {  	[tilespmem:s2], [sflag:$0x3] =	stream.linear.gather [hbm4b:s4+s2], $0x400, $0x38;
	[tilespmem:$0x10800] =	vst v63  }
0x8: {  	_ =	swait.ge [sflag:s3], $0x400  }
0x9: {  	[sflag:s3] =	ssyncset.done $0x0  }
0xa: {  	s6 =	simm.s32 $0x400;
	s5 =	sadd.s32 $0x2E00, s5;
	[sflag:s3] =	ssyncadd.s32 $0xFFFFFC00  }
0xb: {  	[tilespmem:s6], [sflag:$0x3] =	stream.linear.gather [hbm4b:s5+s2], $0x400, $0x38;
	[tilespmem:$0x10800] =	vst v63  }
0xc: {  	_ =	swait.ge [sflag:s3], $0x400  }
0xd: {  	s8 =	simm.s32 $0x80;
	[sflag:s3] =	ssyncset.done $0x0  }
0xe: {  	s9 =	simm.s32 $0x800;
	s7 =	sadd.s32 $0x3E00, s17;
	[sflag:s3] =	ssyncadd.s32 $0xFFFFFC00  }
0xf: {  	[tilespmem:s9], [sflag:$0x1] =	stream.indirect.gather [hbm4b:s7+s8], $0x80, s2, s8, $0xb8;
	[tilespmem:$0x10800] =	vst v63  }
0x10: {  	s10 =	simm.s32 $0x8800  }
0x11: {  	[tilespmem:s10], [sflag:$0x2] =	stream.indirect.gather [hbm4b:s7+s8], $0x80, s6, s8, $0xb8;
	[tilespmem:$0x10800] =	vst v63  }
0x12: {  	s11 =	simm.s32 $0x4800  }
0x13: {  	[tilespmem:s11], [sflag:$0x1] =	stream.indirect.gather [hbm4b:s7+s8], $0x80, s8, s8, $0xb8;
	[tilespmem:$0x10800] =	vst v63  }
0x14: {  	s12 =	simm.s32 $0x480;
	s13 =	simm.s32 $0xC800;
	s14 =	simm.s32 $0x1  }
0x15: {  	[tilespmem:s13], [sflag:$0x2] =	stream.indirect.gather [hbm4b:s7+s8], $0x80, s12, s8, $0xb8;
	[tilespmem:$0x10800] =	vst v63  }
0x16: {  	_ =	swait.ge [sflag:s14], $0x4000  }
0x17: {  	[sflag:s14] =	ssyncset.done $0x0  }
0x18: {  	s15 =	simm.s32 $0x2;
	[sflag:s14] =	ssyncadd.s32 $0xFFFFC000  }
0x19: {  	_ =	swait.ge [sflag:s15], $0x4000  }
0x1a: {  	s28 =	sadd.s32 $0x403E00, s17;
	s30 =	sshll.u32 s16, $0xD;
	[sflag:s15] =	ssyncset.done $0x0  }
0x1b: {  	s16 =	sadd.s32 s28, s30;
	[sflag:s15] =	ssyncadd.s32 $0xFFFFC000  }
0x1c: {  	[hbm4b:s16+s2] =	stream.linear.scatter [tilespmem:s9], [sflag:$0x3], $0x4000, $0x38;
	[tilespmem:$0x10800] =	vst v63  }
0x1d: {  	_ =	swait.ge [sflag:s3], $0x4000  }
0x1e: {  	s29 =	sadd.s32 $0x443E00, s17;
	[sflag:s3] =	ssyncset.done $0x0  }
0x1f: {  	s17 =	sadd.s32 s29, s30;
	[sflag:s3] =	ssyncadd.s32 $0xFFFFC000  }
0x20: {  	[hbm4b:s17+s2] =	stream.linear.scatter [tilespmem:s10], [sflag:$0x3], $0x4000, $0x38;
	[tilespmem:$0x10800] =	vst v63  }
0x21: {  	_ =	swait.ge [sflag:s3], $0x4000  }
0x22: {  	[sflag:s3] =	ssyncset.done $0x0  }
0x23: {  	s18 =	simm.s32 $0x100;
	[sflag:s3] =	ssyncadd.s32 $0xFFFFC000  }
0x24: {  	[tilespmem:s9], [sflag:$0x1] =	stream.indirect.gather [hbm4b:s7+s8], $0x80, s18, s8, $0xb8;
	[tilespmem:$0x10800] =	vst v63  }
0x25: {  	s19 =	simm.s32 $0x500  }
0x26: {  	[tilespmem:s10], [sflag:$0x2] =	stream.indirect.gather [hbm4b:s7+s8], $0x80, s19, s8, $0xb8;
	[tilespmem:$0x10800] =	vst v63  }
0x27: {  	_ =	swait.ge [sflag:s14], $0x4000  }
0x28: {  	[sflag:s14] =	ssyncset.done $0x0  }
0x29: {  	[sflag:s14] =	ssyncadd.s32 $0xFFFFC000  }
0x2a: {  	_ =	swait.ge [sflag:s15], $0x4000  }
0x2b: {  	s21 =	sor.u32 $0x800, s30;
	[sflag:s15] =	ssyncset.done $0x0  }
0x2c: {  	s20 =	sadd.s32 s28, s21;
	[sflag:s15] =	ssyncadd.s32 $0xFFFFC000  }
0x2d: {  	[hbm4b:s20+s2] =	stream.linear.scatter [tilespmem:s11], [sflag:$0x3], $0x4000, $0x38;
	[tilespmem:$0x10800] =	vst v63  }
0x2e: {  	_ =	swait.ge [sflag:s3], $0x4000  }
0x2f: {  	[sflag:s3] =	ssyncset.done $0x0  }
0x30: {  	s21 =	sadd.s32 s29, s21;
	[sflag:s3] =	ssyncadd.s32 $0xFFFFC000  }
0x31: {  	[hbm4b:s21+s2] =	stream.linear.scatter [tilespmem:s13], [sflag:$0x3], $0x4000, $0x38;
	[tilespmem:$0x10800] =	vst v63  }
0x32: {  	_ =	swait.ge [sflag:s3], $0x4000  }
0x33: {  	[sflag:s3] =	ssyncset.done $0x0  }
0x34: {  	s22 =	simm.s32 $0x180;
	[sflag:s3] =	ssyncadd.s32 $0xFFFFC000  }
0x35: {  	[tilespmem:s11], [sflag:$0x1] =	stream.indirect.gather [hbm4b:s7+s8], $0x80, s22, s8, $0xb8;
	[tilespmem:$0x10800] =	vst v63  }
0x36: {  	s23 =	simm.s32 $0x580  }
0x37: {  	[tilespmem:s13], [sflag:$0x2] =	stream.indirect.gather [hbm4b:s7+s8], $0x80, s23, s8, $0xb8;
	[tilespmem:$0x10800] =	vst v63  }
0x38: {  	_ =	swait.ge [sflag:s14], $0x4000  }
0x39: {  	[sflag:s14] =	ssyncset.done $0x0  }
0x3a: {  	[sflag:s14] =	ssyncadd.s32 $0xFFFFC000  }
0x3b: {  	_ =	swait.ge [sflag:s15], $0x4000  }
0x3c: {  	s25 =	sor.u32 $0x1000, s30;
	[sflag:s15] =	ssyncset.done $0x0  }
0x3d: {  	s24 =	sadd.s32 s28, s25;
	[sflag:s15] =	ssyncadd.s32 $0xFFFFC000  }
0x3e: {  	[hbm4b:s24+s2] =	stream.linear.scatter [tilespmem:s9], [sflag:$0x3], $0x4000, $0x38;
	[tilespmem:$0x10800] =	vst v63  }
0x3f: {  	_ =	swait.ge [sflag:s3], $0x4000  }
0x40: {  	[sflag:s3] =	ssyncset.done $0x0  }
0x41: {  	s25 =	sadd.s32 s29, s25;
	[sflag:s3] =	ssyncadd.s32 $0xFFFFC000  }
0x42: {  	[hbm4b:s25+s2] =	stream.linear.scatter [tilespmem:s10], [sflag:$0x3], $0x4000, $0x38;
	[tilespmem:$0x10800] =	vst v63  }
0x43: {  	_ =	swait.ge [sflag:s3], $0x4000  }
0x44: {  	[sflag:s3] =	ssyncset.done $0x0  }
0x45: {  	[sflag:s3] =	ssyncadd.s32 $0xFFFFC000  }
0x46: {  	_ =	swait.ge [sflag:s14], $0x4000  }
0x47: {  	[sflag:s14] =	ssyncset.done $0x0  }
0x48: {  	s31 =	ssub.s32 $0x2, s26;
	s30 =	sor.u32 $0x1800, s30;
	[sflag:s14] =	ssyncadd.s32 $0xFFFFC000  }
0x49: {  	s26 =	sadd.s32 s28, s30;
	s28 =	sshrl.u32 s31, $0x1;
	_ =	swait.ge [sflag:s15], $0x4000  }
0x4a: {  	s31 =	ssub.s32 s31, s28;
	[sflag:s15] =	ssyncset.done $0x0  }
0x4b: {  	s28 =	sadd.s32 s29, s30;
	s29 =	smax.u32 s31, $0x1;
	[sflag:s15] =	ssyncadd.s32 $0xFFFFC000  }
0x4c: {  	[hbm4b:s26+s2] =	stream.linear.scatter [tilespmem:s11], [sflag:$0x3], $0x4000, $0x38;
	[tilespmem:$0x10800] =	vst v63  }
0x4d: {  	p0 =	sne.s32 s29, $0x1;
	_ =	swait.ge [sflag:s3], $0x4000  }
.Ltmp0:
0x4e: {  	[sflag:s3] =	ssyncset.done $0x0;
	(pc) =	sbr.rel @!p0 .LBB2_2-.Ltmp0, $4  }
0x4f: {  	[sflag:s3] =	ssyncadd.s32 $0xFFFFC000  }
0x50: {  	[hbm4b:s28+s2] =	stream.linear.scatter [tilespmem:s13], [sflag:$0x3], $0x4000, $0x38;
	[tilespmem:$0x10800] =	vst v63  }
0x51: {  	_ =	swait.ge [sflag:s3], $0x4000  }
0x52: {  	s29 =	sadd.s32 $0xFFFFFFFF, s29;
	[sflag:s3] =	ssyncset.done $0x0  }
.LBB2_1:
0x53: {  	p0 =	sne.s32 s29, $0x1;
	s29 =	sadd.s32 $0xFFFFFFFF, s29;
	[sflag:s3] =	ssyncadd.s32 $0xFFFFC000  }
0x54: {  	[tilespmem:s2], [sflag:$0x3] =	stream.linear.gather [hbm4b:s4+s2], $0x400, $0x38;
	[tilespmem:$0x10800] =	vst v63  }
0x55: {  	_ =	swait.ge [sflag:s3], $0x400  }
0x56: {  	[sflag:s3] =	ssyncset.done $0x0  }
0x57: {  	[sflag:s3] =	ssyncadd.s32 $0xFFFFFC00  }
0x58: {  	[tilespmem:s6], [sflag:$0x3] =	stream.linear.gather [hbm4b:s5+s2], $0x400, $0x38;
	[tilespmem:$0x10800] =	vst v63  }
0x59: {  	_ =	swait.ge [sflag:s3], $0x400  }
0x5a: {  	[sflag:s3] =	ssyncset.done $0x0  }
0x5b: {  	[sflag:s3] =	ssyncadd.s32 $0xFFFFFC00  }
0x5c: {  	[tilespmem:s9], [sflag:$0x1] =	stream.indirect.gather [hbm4b:s7+s8], $0x80, s2, s8, $0xb8;
	[tilespmem:$0x10800] =	vst v63  }
0x5d: {  	_ = 	snop  }
0x5e: {  	[tilespmem:s10], [sflag:$0x2] =	stream.indirect.gather [hbm4b:s7+s8], $0x80, s6, s8, $0xb8;
	[tilespmem:$0x10800] =	vst v63  }
0x5f: {  	_ = 	snop  }
0x60: {  	[tilespmem:s11], [sflag:$0x1] =	stream.indirect.gather [hbm4b:s7+s8], $0x80, s8, s8, $0xb8;
	[tilespmem:$0x10800] =	vst v63  }
0x61: {  	_ = 	snop  }
0x62: {  	[tilespmem:s13], [sflag:$0x2] =	stream.indirect.gather [hbm4b:s7+s8], $0x80, s12, s8, $0xb8;
	[tilespmem:$0x10800] =	vst v63  }
0x63: {  	_ =	swait.ge [sflag:s14], $0x4000  }
0x64: {  	[sflag:s14] =	ssyncset.done $0x0  }
0x65: {  	[sflag:s14] =	ssyncadd.s32 $0xFFFFC000  }
0x66: {  	_ =	swait.ge [sflag:s15], $0x4000  }
0x67: {  	[sflag:s15] =	ssyncset.done $0x0  }
0x68: {  	[sflag:s15] =	ssyncadd.s32 $0xFFFFC000  }
0x69: {  	[hbm4b:s16+s2] =	stream.linear.scatter [tilespmem:s9], [sflag:$0x3], $0x4000, $0x38;
	[tilespmem:$0x10800] =	vst v63  }
0x6a: {  	_ =	swait.ge [sflag:s3], $0x4000  }
0x6b: {  	[sflag:s3] =	ssyncset.done $0x0  }
0x6c: {  	[sflag:s3] =	ssyncadd.s32 $0xFFFFC000  }
0x6d: {  	[hbm4b:s17+s2] =	stream.linear.scatter [tilespmem:s10], [sflag:$0x3], $0x4000, $0x38;
	[tilespmem:$0x10800] =	vst v63  }
0x6e: {  	_ =	swait.ge [sflag:s3], $0x4000  }
0x6f: {  	[sflag:s3] =	ssyncset.done $0x0  }
0x70: {  	[sflag:s3] =	ssyncadd.s32 $0xFFFFC000  }
0x71: {  	[tilespmem:s9], [sflag:$0x1] =	stream.indirect.gather [hbm4b:s7+s8], $0x80, s18, s8, $0xb8;
	[tilespmem:$0x10800] =	vst v63  }
0x72: {  	_ = 	snop  }
0x73: {  	[tilespmem:s10], [sflag:$0x2] =	stream.indirect.gather [hbm4b:s7+s8], $0x80, s19, s8, $0xb8;
	[tilespmem:$0x10800] =	vst v63  }
0x74: {  	_ =	swait.ge [sflag:s14], $0x4000  }
0x75: {  	[sflag:s14] =	ssyncset.done $0x0  }
0x76: {  	[sflag:s14] =	ssyncadd.s32 $0xFFFFC000  }
0x77: {  	_ =	swait.ge [sflag:s15], $0x4000  }
0x78: {  	[sflag:s15] =	ssyncset.done $0x0  }
0x79: {  	[sflag:s15] =	ssyncadd.s32 $0xFFFFC000  }
0x7a: {  	[hbm4b:s20+s2] =	stream.linear.scatter [tilespmem:s11], [sflag:$0x3], $0x4000, $0x38;
	[tilespmem:$0x10800] =	vst v63  }
0x7b: {  	_ =	swait.ge [sflag:s3], $0x4000  }
0x7c: {  	[sflag:s3] =	ssyncset.done $0x0  }
0x7d: {  	[sflag:s3] =	ssyncadd.s32 $0xFFFFC000  }
0x7e: {  	[hbm4b:s21+s2] =	stream.linear.scatter [tilespmem:s13], [sflag:$0x3], $0x4000, $0x38;
	[tilespmem:$0x10800] =	vst v63  }
0x7f: {  	_ =	swait.ge [sflag:s3], $0x4000  }
0x80: {  	[sflag:s3] =	ssyncset.done $0x0  }
0x81: {  	[sflag:s3] =	ssyncadd.s32 $0xFFFFC000  }
0x82: {  	[tilespmem:s11], [sflag:$0x1] =	stream.indirect.gather [hbm4b:s7+s8], $0x80, s22, s8, $0xb8;
	[tilespmem:$0x10800] =	vst v63  }
0x83: {  	_ = 	snop  }
0x84: {  	[tilespmem:s13], [sflag:$0x2] =	stream.indirect.gather [hbm4b:s7+s8], $0x80, s23, s8, $0xb8;
	[tilespmem:$0x10800] =	vst v63  }
0x85: {  	_ =	swait.ge [sflag:s14], $0x4000  }
0x86: {  	[sflag:s14] =	ssyncset.done $0x0  }
0x87: {  	[sflag:s14] =	ssyncadd.s32 $0xFFFFC000  }
0x88: {  	_ =	swait.ge [sflag:s15], $0x4000  }
0x89: {  	[sflag:s15] =	ssyncset.done $0x0  }
0x8a: {  	[sflag:s15] =	ssyncadd.s32 $0xFFFFC000  }
0x8b: {  	[hbm4b:s24+s2] =	stream.linear.scatter [tilespmem:s9], [sflag:$0x3], $0x4000, $0x38;
	[tilespmem:$0x10800] =	vst v63  }
0x8c: {  	_ =	swait.ge [sflag:s3], $0x4000  }
0x8d: {  	[sflag:s3] =	ssyncset.done $0x0  }
0x8e: {  	[sflag:s3] =	ssyncadd.s32 $0xFFFFC000  }
0x8f: {  	[hbm4b:s25+s2] =	stream.linear.scatter [tilespmem:s10], [sflag:$0x3], $0x4000, $0x38;
	[tilespmem:$0x10800] =	vst v63  }
0x90: {  	_ =	swait.ge [sflag:s3], $0x4000  }
0x91: {  	[sflag:s3] =	ssyncset.done $0x0  }
0x92: {  	[sflag:s3] =	ssyncadd.s32 $0xFFFFC000  }
0x93: {  	_ =	swait.ge [sflag:s14], $0x4000  }
0x94: {  	[sflag:s14] =	ssyncset.done $0x0  }
0x95: {  	[sflag:s14] =	ssyncadd.s32 $0xFFFFC000  }
0x96: {  	_ =	swait.ge [sflag:s15], $0x4000  }
0x97: {  	[sflag:s15] =	ssyncset.done $0x0  }
0x98: {  	[sflag:s15] =	ssyncadd.s32 $0xFFFFC000  }
0x99: {  	[hbm4b:s26+s2] =	stream.linear.scatter [tilespmem:s11], [sflag:$0x3], $0x4000, $0x38;
	[tilespmem:$0x10800] =	vst v63  }
0x9a: {  	_ =	swait.ge [sflag:s3], $0x4000  }
.Ltmp1:
0x9b: {  	[sflag:s3] =	ssyncset.done $0x0;
	(pc) =	sbr.rel @p0 .LBB2_1-.Ltmp1, $4  }
0x9c: {  	[sflag:s3] =	ssyncadd.s32 $0xFFFFC000  }
0x9d: {  	[hbm4b:s28+s2] =	stream.linear.scatter [tilespmem:s13], [sflag:$0x3], $0x4000, $0x38;
	[tilespmem:$0x10800] =	vst v63  }
0x9e: {  	_ =	swait.ge [sflag:s3], $0x4000  }
0x9f: {  	[sflag:s3] =	ssyncset.done $0x0  }
.LBB2_2:
0xa0: {  	[sflag:s3] =	ssyncadd.s32 $0xFFFFC000  }
0xa1: {  	_ =	sfence.sel $0x180000  }
0xa2: {  	[bflag:$0x0] =	sbarrier.arrive $0xFFFF  }
0xa3: {  	p0 =	sne.s32 s0, $0x0;
	_ =	strace $0x90000047  }
0xa4: {  	s0 =	sadd.s32 @!p0 $0x100000, s1;
	[bflag:$0x2] =	sbarrier.arrive $0xFFFF  }
0xa5: {  	[sflag:s0] =	ssyncadd.tile.s32 @!p0 $0x1;
	_ =	shalt  }
.Lfunc_end2:
_tile_overlayer_lowered:
.L_overlay_start_2:
0xa6: {  	(tag) =	ssettag $0x2  }
0xa7: {  	s0 =	rddreg [dreg:$0x0];
	s2 =	stileid.u32  }
0xa8: {  	s1 =	rddreg [dreg:$0x1];
	p0 =	sne.s32 s2, $0x0  }
0xa9: {  	s3 =	rddreg [dreg:$0x2];
	[bflag:$0x3] =	sbarrier.arrive $0xFFFF;
	s2 =	simm.s32 @!p0 $0x1C03  }
0xaa: {  	[timem:s3], [sflag:s2] =	dma.local @!p0 [hbm:s0], s1  }
0xab: {  	s0 =	simm.s32 @!p0 $0x3  }
0xac: {  	_ =	swait.ge @!p0 [sflag:s0], s1  }
0xad: {  	s1 =	ssub.s32 @!p0 $0x0, s1;
	[sflag:s0] =	ssyncset.done @!p0 $0x0  }
0xae: {  	[sflag:s0] =	ssyncadd.s32 @!p0 s1  }
0xaf: {  	[bflag:$0x3] =	sbarrier.arrive $0xFFFF  }
0xb0: {  	_ =	shalt  }

// kernel: kernel.7.cloned.1.call-start
scs
__scs_entry_jumppad:
0x0: {  	(pc) =	sbr.rel $0x88, $3  }
0x1: {  	(tag) =	ssettag $0x0;
	lr =	simm.s32 $0x1  }
0x2: {  	[smem:$0x3F98] =	sst lr;
	_ =	strace $0xD0000000  }
0x3: {  	_ = 	snop  }
0x4: {  	_ = 	snop  }
0x5: {  	_ = 	snop  }
0x6: {  	_ = 	snop  }
0x7: {  	_ = 	snop  }
__scs_overlays_trampoline_lowered:
0x8: {  	[smem:$0x3FA7] =	sst s0  }
0x9: {  	[smem:$0x3FA8] =	sst s1  }
0xa: {  	[smem:$0x3FA9] =	sst s2  }
0xb: {  	[smem:$0x3FAA] =	sst s3  }
0xc: {  	[smem:$0x3FAB] =	sst s4  }
0xd: {  	[smem:$0x3FAC] =	sst s5  }
0xe: {  	[smem:$0x3FAD] =	sst s6  }
0xf: {  	[smem:$0x3FAE] =	sst s7  }
0x10: {  	[smem:$0x3FAF] =	sst s8  }
0x11: {  	[smem:$0x3FB0] =	sst s9;
	s0 =	simm.s32 @!p0 $0x0  }
0x12: {  	s1 =	sld [smem:$0x3F96];
	s0 =	simm.s32 @p0 $0x1  }
0x13: {  	[smem:$0x3FB1] =	sst s0;
	s0 =	simm.s32 @!p1 $0x0  }
0x14: {  	s2 =	sld [smem:$0x3F95];
	s0 =	simm.s32 @p1 $0x1  }
0x15: {  	[smem:$0x3FB2] =	sst s0;
	s0 =	simm.s32 @!p2 $0x0  }
0x16: {  	s3 =	sld [smem:$0x3FDB];
	s0 =	simm.s32 @p2 $0x1  }
0x17: {  	s4 =	simm.s32 $0x1BF5;
	[smem:$0x3FB4] =	sst s0  }
0x18: {  	s0 =	sld [smem:$0x3F97];
	_ =	swait.ge [sflag:s4], $0x0  }
0x19: {  	s7 =	sld [smem:$0x3F98]  }
0x1a: {  	s8 =	sadd.s32 $0xFFFFE003, lr  }
0x1b: {  	s9 =	sadd.s32 $0xFFFFFEF7, lr;
	s5 =	simm.s32 $0xFFFFFFFF;
	p2 =	slt.u32 s8, $0xFFFFF086  }
0x1c: {  	p1 =	slt.u32 s9, $0xF7A;
	s5 =	simm.s32 @!p2 $0x0  }
0x1d: {  	s5 =	simm.s32 @p1 $0x1;
	p0 =	seq.s32 s7, s2  }
0x1e: {  	s7 =	smul.u32 @!p0 $0xF7A, s2;
	p2 =	seq.s32 @!p0 s5, $0x0  }
0x1f: {  	s9 =	smul.u32 $0xF7A, s1;
	s8 =	simm.s32 @!p0 $0x1BF5;
	p2 =	por !p2, p0  }
0x20: {  	[sflag:s8] =	ssyncset.s32 @!p0 $0xFFFFF086;
	s6 =	sadd.s32 @!p0 s3, s7;
	s7 =	simm.s32 @!p0 $0x108  }
0x21: {  	s3 =	sadd.s32 s3, s9;
	s6 =	sadd.s32 @!p0 $0x88, s6;
	s7 =	simm.s32 @p2 $0x1082  }
0x22: {  	[simem:s7], [sflag:s8] =	dma.local @!p0 [hbm:s6], $0xF7A  }
0x23: {  	s9 =	sor.u32 $0xD0000000, s2;
	s6 =	simm.s32 $0x108;
	_ =	swait.ge @!p0 [sflag:s8], $0x0  }
0x24: {  	s3 =	sadd.s32 $0x88, s3;
	s6 =	simm.s32 @!p1 $0x1082;
	[sflag:s4] =	ssyncset.s32 $0xFFFFF086  }
0x25: {  	[simem:s6], [sflag:s4] =	dma.local [hbm:s3], $0xF7A  }
0x26: {  	[smem:$0x3F98] =	sst s1;
	(tag) =	ssettag s2;
	_ =	strace s9  }
0x27: {  	s1 =	sld [smem:$0x3FA8]  }
0x28: {  	s2 =	sld [smem:$0x3FA9]  }
0x29: {  	s4 =	sld [smem:$0x3FAB]  }
0x2a: {  	p0 =	seq.s32 s5, $0x0;
	s5 =	sld [smem:$0x3FAC]  }
0x2b: {  	s6 =	sld [smem:$0x3FAD]  }
0x2c: {  	s7 =	sld [smem:$0x3FAE]  }
0x2d: {  	s3 =	simm.s32 $0x108;
	s8 =	sld [smem:$0x3FAF]  }
0x2e: {  	s3 =	simm.s32 @!p0 $0x1082;
	s9 =	sld [smem:$0x3FB0]  }
0x2f: {  	lr =	sadd.s32 s0, s3;
	s0 =	sld [smem:$0x3FA7]  }
0x30: {  	s3 =	sld [smem:$0x3FAA]  }
0x31: {  	[smem:$0x3FB3] =	sst s10  }
0x32: {  	s10 =	sld [smem:$0x3FB1];
	_ =	sdelay $0x3  }
0x33: {  	p0 =	seq.s32 s10, $0x1;
	s10 =	sld [smem:$0x3FB3];
	_ =	sdelay $0x3  }
0x34: {  	[smem:$0x3FB3] =	sst s10  }
0x35: {  	s10 =	sld [smem:$0x3FB2];
	_ =	sdelay $0x3  }
0x36: {  	p1 =	seq.s32 s10, $0x1;
	s10 =	sld [smem:$0x3FB3];
	_ =	sdelay $0x3  }
0x37: {  	[smem:$0x3FB3] =	sst s10  }
0x38: {  	s10 =	sld [smem:$0x3FB4]  }
0x39: {  	_ = 	snop;
	(pc) =	sbr.ind lr, $3  }
0x3a: {  	_ = 	snop  }
0x3b: {  	_ = 	snop  }
0x3c: {  	p2 =	seq.s32 s10, $0x1;
	s10 =	sld [smem:$0x3FB3]  }
0x3d: {  	_ =	shalt  }
0x3e: {  	_ =	shalt  }
0x3f: {  	_ =	shalt  }
0x40: {  	_ =	shalt  }
0x41: {  	_ =	shalt  }
0x42: {  	_ =	shalt  }
0x43: {  	_ =	shalt  }
0x44: {  	_ =	shalt  }
0x45: {  	_ =	shalt  }
0x46: {  	_ =	shalt  }
0x47: {  	_ =	shalt  }
0x48: {  	_ =	shalt  }
0x49: {  	_ =	shalt  }
0x4a: {  	_ =	shalt  }
0x4b: {  	_ =	shalt  }
0x4c: {  	_ =	shalt  }
0x4d: {  	_ =	shalt  }
0x4e: {  	_ =	shalt  }
0x4f: {  	_ =	shalt  }
0x50: {  	_ =	shalt  }
0x51: {  	_ =	shalt  }
0x52: {  	_ =	shalt  }
0x53: {  	_ =	shalt  }
0x54: {  	_ =	shalt  }
0x55: {  	_ =	shalt  }
0x56: {  	_ =	shalt  }
0x57: {  	_ =	shalt  }
0x58: {  	_ =	shalt  }
0x59: {  	_ =	shalt  }
0x5a: {  	_ =	shalt  }
0x5b: {  	_ =	shalt  }
0x5c: {  	_ =	shalt  }
0x5d: {  	_ =	shalt  }
0x5e: {  	_ =	shalt  }
0x5f: {  	_ =	shalt  }
0x60: {  	_ =	shalt  }
0x61: {  	_ =	shalt  }
0x62: {  	_ =	shalt  }
0x63: {  	_ =	shalt  }
0x64: {  	_ =	shalt  }
0x65: {  	_ =	shalt  }
0x66: {  	_ =	shalt  }
0x67: {  	_ =	shalt  }
0x68: {  	_ =	shalt  }
0x69: {  	_ =	shalt  }
0x6a: {  	_ =	shalt  }
0x6b: {  	_ =	shalt  }
0x6c: {  	_ =	shalt  }
0x6d: {  	_ =	shalt  }
0x6e: {  	_ =	shalt  }
0x6f: {  	_ =	shalt  }
0x70: {  	_ =	shalt  }
0x71: {  	_ =	shalt  }
0x72: {  	_ =	shalt  }
0x73: {  	_ =	shalt  }
0x74: {  	_ =	shalt  }
0x75: {  	_ =	shalt  }
0x76: {  	_ =	shalt  }
0x77: {  	_ =	shalt  }
0x78: {  	_ =	shalt  }
0x79: {  	_ =	shalt  }
0x7a: {  	_ =	shalt  }
0x7b: {  	_ =	shalt  }
0x7c: {  	_ =	shalt  }
0x7d: {  	_ =	shalt  }
0x7e: {  	_ =	shalt  }
0x7f: {  	_ =	shalt  }
0x80: {  	_ =	shalt  }
0x81: {  	_ =	shalt  }
0x82: {  	_ =	shalt  }
0x83: {  	_ =	shalt  }
0x84: {  	_ =	shalt  }
0x85: {  	_ =	shalt  }
0x86: {  	_ =	shalt  }
0x87: {  	_ =	shalt  }
.Lfunc_end0:
.L_simem_size_0:
called_computation_lowered:
.L_overlay_start_0:
0x88: {  	s2 =	sld [smem:$0x3FD9]  }
0x89: {  	s3 =	sld [smem:$0x3FFE];
	_ =	sdelay $0x1  }
0x8a: {  	s1 =	srdreg.scid  }
0x8b: {  	s0 =	sand.u32 $0x1, s1  }
0x8c: {  	s17 =	sshll.u32 s0, $0xA;
	s2 =	sadd.s32 s3, s2  }
0x8d: {  	s2 =	sadd.s32 s2, s17  }
0x8e: {  	[smem:$0x3FBF] =	sst s2  }
0x8f: {  	_ = 	snop  }
0x90: {  	(tm) =	ssettm $0x1  }
0x91: {  	s18 =	sld [smem:$0x3FFB];
	_ =	sdelay $0x3  }
0x92: {  	_ =	strace s18  }
0x93: {  	s2 =	sld [smem:$0x3FFC];
	_ =	sdelay $0x3  }
0x94: {  	_ =	strace s2  }
0x95: {  	s2 =	sld [smem:$0x3FFD];
	_ =	sdelay $0x3  }
0x96: {  	_ =	strace s2  }
0x97: {  	_ =	strace $0x8FFFFFFF  }
0x98: {  	s19 =	sld [smem:$0x3FDB];
	_ =	sdelay $0x1  }
0x99: {  	s20 =	simm.s32 $_scs_section_size  }
0x9a: {  	s4 =	simm.s32 $_size__tile_overlayer_lowered;
	s5 =	simm.s32 $_tile_overlayer_lowered  }
0x9b: {  	s6 =	simm.s32 $0x1BFF;
	s21 =	sshll.u32 s5, $0x1;
	s3 =	sadd.s32 s20, s19  }
0x9c: {  	s22 =	simm.s32 $0x0;
	s4 =	sshll.u32 s4, $0x1;
	s5 =	sadd.s32 s21, s3  }
0x9d: {  	[timem:s22], [sflag:s6] =	dma.local [hbm:s5], s4  }
0x9e: {  	_ =	swait.ge [sflag:s6], s4  }
0x9f: {  	s4 =	ssub.s32 $0x0, s4;
	[sflag:s6] =	ssyncset.done $0x0  }
0xa0: {  	[sflag:s6] =	ssyncadd.s32 s4;
	_ =	sdelay $0x1  }
0xa1: {  	s23 =	simm.s32 $0x1B8B  }
0xa2: {  	_ =	swait.ge [sflag:s23], $0x1  }
0xa3: {  	[sflag:s23] =	ssyncset.done $0x0  }
0xa4: {  	[sflag:s23] =	ssyncadd.s32 $0xFFFFFFFF  }
0xa5: {  	s4 =	sld [smem:$0x0]  }
0xa6: {  	s5 =	sand.u32 $0xFFFFFFFE, s1  }
0xa7: {  	p0 =	sne.s32 s1, s5  }
0xa8: {  	s5 =	sshll.u32 @p0 s5, $0xE  }
0xa9: {  	s5 =	sadd.s32 @p0 $0x11B8D, s5;
	s6 =	sshll.u32 @p0 s4, $0x11  }
0xaa: {  	s5 =	sor.u32 @p0 s6, s5  }
0xab: {  	[sflag:s5] =	ssyncadd.remote.s32 @p0 $0x1;
	_ =	sdelay $0x1  }
0xac: {  	s5 =	simm.s32 @p0 $0x1B8D  }
0xad: {  	_ =	swait.eq @p0 [sflag:s5], $0x1  }
0xae: {  	[sflag:s5] =	ssyncadd.s32 @p0 $0xFFFFFFFF  }
0xaf: {  	s6 =	sshll.u32 @!p0 s1, $0xE  }
0xb0: {  	s6 =	sor.u32 @!p0 $0x4000, s6;
	s5 =	simm.s32 @!p0 $0x1B8D  }
0xb1: {  	s4 =	sshll.u32 @!p0 s4, $0x11;
	s6 =	sadd.s32 @!p0 $0x11B8D, s6;
	_ =	swait.eq @!p0 [sflag:s5], $0x1  }
0xb2: {  	s4 =	sor.u32 @!p0 s4, s6;
	[sflag:s5] =	ssyncadd.s32 @!p0 $0xFFFFFFFF  }
0xb3: {  	s25 =	simm.s32 $0x1B8E;
	s24 =	sld [smem:$0x3FFE];
	[sflag:s4] =	ssyncadd.remote.s32 @!p0 $0x1  }
0xb4: {  	s26 =	simm.s32 $execute0_lowered;
	[smem:$0x3FD2] =	sst s25  }
0xb5: {  	s5 =	sshll.u32 s26, $0x1;
	_ =	strace $0x80000049;
	[dreg:$0x1] =	wrdreg $0xFFFFFFFF  }
0xb6: {  	s28 =	simm.s32 $_size_execute0_lowered;
	s3 =	sadd.s32 s3, s5;
	[dreg:$0x0] =	wrdreg $0x0  }
0xb7: {  	s5 =	sshll.u32 s28, $0x1;
	[dreg:$0x2] =	wrdreg s3  }
0xb8: {  	[dreg:$0x3] =	wrdreg s5  }
0xb9: {  	[dreg:$0x4] =	wrdreg $0xC0  }
0xba: {  	_ =	task [dreg:s22], $0x5FFFF  }
0xbb: {  	[dreg:$0x1] =	wrdreg $0xFFFFFFFF  }
0xbc: {  	[dreg:$0x0] =	wrdreg $0x60  }
0xbd: {  	[dreg:$0x2] =	wrdreg s24  }
0xbe: {  	[dreg:$0x3] =	wrdreg $0x9  }
0xbf: {  	_ =	task.clear_ibuf [dreg:s22], $0x4FFFF;
	_ =	strace $0x90000049  }
0xc0: {  	s29 =	simm.s32 $0x9;
	_ =	strace $0x8000004B  }
0xc1: {  	_ =	swait.ge [sflag:s29], $0x1  }
0xc2: {  	[sflag:s29] =	ssyncadd.s32 $0xFFFFFFFF  }
0xc3: {  	_ =	strace $0x9000004B  }
0xc4: {  	_ =	sfence  }
0xc5: {  	s30 =	sld [smem:$0x0];
	_ =	sdelay $0x2  }
0xc6: {  	s31 =	sshll.u32 s1, $0xD;
	s1 =	sshrl.u32 s1, $0x2  }
0xc7: {  	s4 =	sand.u32 $0x4000, s31;
	s1 =	sadd.s32 s1, s30  }
0xc8: {  	s0 =	sor.u32 s4, s0;
	s1 =	sshll.u32 s1, $0x11  }
0xc9: {  	s0 =	sor.u32 s1, s0  }
0xca: {  	s0 =	sadd.s32 $0x8F2B, s0  }
0xcb: {  	[sflag:s0] =	ssyncadd.remote.s32 $0x1  }
0xcc: {  	_ =	sfence.sel $0xFFFF  }
0xcd: {  	[dreg:$0x0] =	wrdreg $0xFFFFFFFF;
	(pc) =	sbr.abs _section_cstart, $3  }
0xce: {  	[dreg:$0x1] =	wrdreg $0xFFFFFFFF  }
0xcf: {  	_ =	task.clear_ibuf [dreg:s22], $0x2FFFF;
	_ =	strace $0x9FFFFFFF  }
0xd0: {  	(tm) =	ssettm $0x7FFFFFFF  }
0xd1: {  	_ =	shalt  }
tec
execute0_lowered:
.L_overlay_start_1:
0x0: {  	(tag) =	ssettag $0x1  }
0x1: {  	s1 =	srdreg.scid;
	s0 =	stileid.u32  }
0x2: {  	s15 =	sand.u32 $0x1, s1;
	s30 =	sshll.u32 s0, $0x1  }
0x3: {  	s10 =	rddreg [dreg:$0x0];
	s11 =	sor.u32 s15, s30  }
0x4: {  	s2 =	simm.s32 $0x0;
	s1 =	rddreg [dreg:$0x1];
	s3 =	sshll.u32 s11, $0x7  }
0x5: {  	[smem:$0x7FF] =	sst s2;
	s3 =	sadd.s32 s3, s10  }
0x6: {  	_ =	strace $0x8000004A;
	s4 =	sadd.s32 $0x483E00, s3;
	s3 =	simm.s32 $0x2  }
0x7: {  	[tilespmem:s2], [sflag:$0x2] =	stream.linear.gather [hbm4b:s4+s2], $0x400, $0x38;
	[tilespmem:$0x8400] =	vst v63  }
0x8: {  	_ =	swait.ge [sflag:s3], $0x400  }
0x9: {  	s6 =	simm.s32 $0x80;
	[sflag:s3] =	ssyncset.done $0x0  }
0xa: {  	s7 =	simm.s32 $0x400;
	s5 =	sadd.s32 $0x484E00, s10;
	[sflag:s3] =	ssyncadd.s32 $0xFFFFFC00  }
0xb: {  	[tilespmem:s7], [sflag:$0x1] =	stream.indirect.gather [hbm4b:s5+s6], $0x80, s2, s6, $0xb8;
	[tilespmem:$0x8400] =	vst v63  }
0xc: {  	s8 =	simm.s32 $0x4400;
	s9 =	simm.s32 $0x1  }
0xd: {  	[tilespmem:s8], [sflag:$0x1] =	stream.indirect.gather [hbm4b:s5+s6], $0x80, s6, s6, $0xb8;
	[tilespmem:$0x8400] =	vst v63  }
0xe: {  	s11 =	sshll.u32 s11, $0xD;
	_ =	swait.ge [sflag:s9], $0x4000  }
0xf: {  	s16 =	sadd.s32 s11, s10;
	[sflag:s9] =	ssyncset.done $0x0  }
0x10: {  	s10 =	sadd.s32 $0x884E00, s16;
	[sflag:s9] =	ssyncadd.s32 $0xFFFFC000  }
0x11: {  	[hbm4b:s10+s2] =	stream.linear.scatter [tilespmem:s7], [sflag:$0x2], $0x4000, $0x38;
	[tilespmem:$0x8400] =	vst v63  }
0x12: {  	_ =	swait.ge [sflag:s3], $0x4000  }
0x13: {  	[sflag:s3] =	ssyncset.done $0x0  }
0x14: {  	s11 =	simm.s32 $0x100;
	[sflag:s3] =	ssyncadd.s32 $0xFFFFC000  }
0x15: {  	[tilespmem:s7], [sflag:$0x1] =	stream.indirect.gather [hbm4b:s5+s6], $0x80, s11, s6, $0xb8;
	[tilespmem:$0x8400] =	vst v63  }
0x16: {  	_ =	swait.ge [sflag:s9], $0x4000  }
0x17: {  	[sflag:s9] =	ssyncset.done $0x0  }
0x18: {  	s12 =	sadd.s32 $0x885600, s16;
	[sflag:s9] =	ssyncadd.s32 $0xFFFFC000  }
0x19: {  	[hbm4b:s12+s2] =	stream.linear.scatter [tilespmem:s8], [sflag:$0x2], $0x4000, $0x38;
	[tilespmem:$0x8400] =	vst v63  }
0x1a: {  	_ =	swait.ge [sflag:s3], $0x4000  }
0x1b: {  	[sflag:s3] =	ssyncset.done $0x0  }
0x1c: {  	s13 =	simm.s32 $0x180;
	[sflag:s3] =	ssyncadd.s32 $0xFFFFC000  }
0x1d: {  	[tilespmem:s8], [sflag:$0x1] =	stream.indirect.gather [hbm4b:s5+s6], $0x80, s13, s6, $0xb8;
	[tilespmem:$0x8400] =	vst v63  }
0x1e: {  	_ =	swait.ge [sflag:s9], $0x4000  }
0x1f: {  	[sflag:s9] =	ssyncset.done $0x0  }
0x20: {  	s15 =	ssub.s32 $0x2, s15;
	s14 =	sadd.s32 $0x885E00, s16;
	[sflag:s9] =	ssyncadd.s32 $0xFFFFC000  }
0x21: {  	[hbm4b:s14+s2] =	stream.linear.scatter [tilespmem:s7], [sflag:$0x2], $0x4000, $0x38;
	[tilespmem:$0x8400] =	vst v63  }
0x22: {  	s17 =	sshrl.u32 s15, $0x1;
	_ =	swait.ge [sflag:s3], $0x4000  }
0x23: {  	s17 =	ssub.s32 s15, s17;
	[sflag:s3] =	ssyncset.done $0x0  }
0x24: {  	s31 =	smax.u32 s17, $0x1;
	[sflag:s3] =	ssyncadd.s32 $0xFFFFC000  }
0x25: {  	p0 =	sne.s32 s31, $0x1;
	_ =	swait.ge [sflag:s9], $0x4000  }
.Ltmp0:
0x26: {  	[sflag:s9] =	ssyncset.done $0x0;
	(pc) =	sbr.rel @!p0 .LBB2_2-.Ltmp0, $4  }
0x27: {  	s15 =	sadd.s32 $0x886600, s16;
	[sflag:s9] =	ssyncadd.s32 $0xFFFFC000  }
0x28: {  	[hbm4b:s15+s2] =	stream.linear.scatter [tilespmem:s8], [sflag:$0x2], $0x4000, $0x38;
	[tilespmem:$0x8400] =	vst v63  }
0x29: {  	_ =	swait.ge [sflag:s3], $0x4000  }
0x2a: {  	s16 =	sadd.s32 $0xFFFFFFFF, s31;
	[sflag:s3] =	ssyncset.done $0x0  }
.LBB2_1:
0x2b: {  	p0 =	sne.s32 s16, $0x1;
	s16 =	sadd.s32 $0xFFFFFFFF, s16;
	[sflag:s3] =	ssyncadd.s32 $0xFFFFC000  }
0x2c: {  	[tilespmem:s2], [sflag:$0x2] =	stream.linear.gather [hbm4b:s4+s2], $0x400, $0x38;
	[tilespmem:$0x8400] =	vst v63  }
0x2d: {  	_ =	swait.ge [sflag:s3], $0x400  }
0x2e: {  	[sflag:s3] =	ssyncset.done $0x0  }
0x2f: {  	[sflag:s3] =	ssyncadd.s32 $0xFFFFFC00  }
0x30: {  	[tilespmem:s7], [sflag:$0x1] =	stream.indirect.gather [hbm4b:s5+s6], $0x80, s2, s6, $0xb8;
	[tilespmem:$0x8400] =	vst v63  }
0x31: {  	_ = 	snop  }
0x32: {  	[tilespmem:s8], [sflag:$0x1] =	stream.indirect.gather [hbm4b:s5+s6], $0x80, s6, s6, $0xb8;
	[tilespmem:$0x8400] =	vst v63  }
0x33: {  	_ =	swait.ge [sflag:s9], $0x4000  }
0x34: {  	[sflag:s9] =	ssyncset.done $0x0  }
0x35: {  	[sflag:s9] =	ssyncadd.s32 $0xFFFFC000  }
0x36: {  	[hbm4b:s10+s2] =	stream.linear.scatter [tilespmem:s7], [sflag:$0x2], $0x4000, $0x38;
	[tilespmem:$0x8400] =	vst v63  }
0x37: {  	_ =	swait.ge [sflag:s3], $0x4000  }
0x38: {  	[sflag:s3] =	ssyncset.done $0x0  }
0x39: {  	[sflag:s3] =	ssyncadd.s32 $0xFFFFC000  }
0x3a: {  	[tilespmem:s7], [sflag:$0x1] =	stream.indirect.gather [hbm4b:s5+s6], $0x80, s11, s6, $0xb8;
	[tilespmem:$0x8400] =	vst v63  }
0x3b: {  	_ =	swait.ge [sflag:s9], $0x4000  }
0x3c: {  	[sflag:s9] =	ssyncset.done $0x0  }
0x3d: {  	[sflag:s9] =	ssyncadd.s32 $0xFFFFC000  }
0x3e: {  	[hbm4b:s12+s2] =	stream.linear.scatter [tilespmem:s8], [sflag:$0x2], $0x4000, $0x38;
	[tilespmem:$0x8400] =	vst v63  }
0x3f: {  	_ =	swait.ge [sflag:s3], $0x4000  }
0x40: {  	[sflag:s3] =	ssyncset.done $0x0  }
0x41: {  	[sflag:s3] =	ssyncadd.s32 $0xFFFFC000  }
0x42: {  	[tilespmem:s8], [sflag:$0x1] =	stream.indirect.gather [hbm4b:s5+s6], $0x80, s13, s6, $0xb8;
	[tilespmem:$0x8400] =	vst v63  }
0x43: {  	_ =	swait.ge [sflag:s9], $0x4000  }
0x44: {  	[sflag:s9] =	ssyncset.done $0x0  }
0x45: {  	[sflag:s9] =	ssyncadd.s32 $0xFFFFC000  }
0x46: {  	[hbm4b:s14+s2] =	stream.linear.scatter [tilespmem:s7], [sflag:$0x2], $0x4000, $0x38;
	[tilespmem:$0x8400] =	vst v63  }
0x47: {  	_ =	swait.ge [sflag:s3], $0x4000  }
0x48: {  	[sflag:s3] =	ssyncset.done $0x0  }
0x49: {  	[sflag:s3] =	ssyncadd.s32 $0xFFFFC000  }
0x4a: {  	_ =	swait.ge [sflag:s9], $0x4000  }
.Ltmp1:
0x4b: {  	[sflag:s9] =	ssyncset.done $0x0;
	(pc) =	sbr.rel @p0 .LBB2_1-.Ltmp1, $4  }
0x4c: {  	[sflag:s9] =	ssyncadd.s32 $0xFFFFC000  }
0x4d: {  	[hbm4b:s15+s2] =	stream.linear.scatter [tilespmem:s8], [sflag:$0x2], $0x4000, $0x38;
	[tilespmem:$0x8400] =	vst v63  }
0x4e: {  	_ =	swait.ge [sflag:s3], $0x4000  }
0x4f: {  	[sflag:s3] =	ssyncset.done $0x0  }
.LBB2_2:
0x50: {  	[sflag:s3] =	ssyncadd.s32 $0xFFFFC000  }
0x51: {  	_ =	sfence.sel $0x180000  }
0x52: {  	[bflag:$0x0] =	sbarrier.arrive $0xFFFF  }
0x53: {  	p0 =	sne.s32 s0, $0x0;
	_ =	strace $0x9000004A  }
0x54: {  	s0 =	sadd.s32 @!p0 $0x100000, s1;
	[bflag:$0x2] =	sbarrier.arrive $0xFFFF  }
0x55: {  	[sflag:s0] =	ssyncadd.tile.s32 @!p0 $0x1;
	_ =	shalt  }
.Lfunc_end2:
_tile_overlayer_lowered:
.L_overlay_start_2:
0x56: {  	(tag) =	ssettag $0x2  }
0x57: {  	s0 =	rddreg [dreg:$0x0];
	s2 =	stileid.u32  }
0x58: {  	s1 =	rddreg [dreg:$0x1];
	p0 =	sne.s32 s2, $0x0  }
0x59: {  	s3 =	rddreg [dreg:$0x2];
	[bflag:$0x3] =	sbarrier.arrive $0xFFFF;
	s2 =	simm.s32 @!p0 $0x1C02  }
0x5a: {  	[timem:s3], [sflag:s2] =	dma.local @!p0 [hbm:s0], s1  }
0x5b: {  	s0 =	simm.s32 @!p0 $0x2  }
0x5c: {  	_ =	swait.ge @!p0 [sflag:s0], s1  }
0x5d: {  	s1 =	ssub.s32 @!p0 $0x0, s1;
	[sflag:s0] =	ssyncset.done @!p0 $0x0  }
0x5e: {  	[sflag:s0] =	ssyncadd.s32 @!p0 s1  }
0x5f: {  	[bflag:$0x3] =	sbarrier.arrive $0xFFFF  }
0x60: {  	_ =	shalt  }

</sc_bundles>
